<compile_context>
chip_gen: v7x
topology: tpu7x:2x2x1
jax: 0.10.2.dev20260603
libtpu: 0.0.44.dev20260713+nightly
codegen_flags: <defaults>
</compile_context>

<pallas_src>
import functools

import jax
import jax.numpy as jnp
from jax import lax
from jax.experimental import pallas as pl
from jax.experimental.pallas import tpu as pltpu
from jax.experimental.pallas import tpu_sc as plsc

D = 65536
Q = D // 4
B = 256
LANES = 16
NC, NS = 2, 16
NW = NC * NS
PAIR_PER_W = Q // NW
T = 128
ELEMS = T * B
NT = PAIR_PER_W // T
UNROLL = 8


def _cs_body(angle_ref, cs_ref):
    a = angle_ref[0, 0] * 0.5
    c = jnp.cos(a)
    s = jnp.sin(a)
    row = jnp.ones((1, LANES), jnp.float32)
    cs_ref[...] = jnp.concatenate([c * row, -s * row], axis=0)


def _compute_cs(angle):
    return pl.pallas_call(
        _cs_body,
        in_specs=[pl.BlockSpec(memory_space=pltpu.SMEM)],
        out_specs=pl.BlockSpec(memory_space=pltpu.VMEM),
        out_shape=jax.ShapeDtypeStruct((2, LANES), jnp.float32),
    )(angle.reshape(1, 1).astype(jnp.float32))


@functools.partial(
    pl.kernel,
    out_type=jax.ShapeDtypeStruct((2 * Q * B,), jnp.float32),
    mesh=plsc.VectorSubcoreMesh(core_axis_name="c", subcore_axis_name="s"),
    scratch_types=[
        pltpu.VMEM((ELEMS,), jnp.float32),
        pltpu.VMEM((ELEMS,), jnp.float32),
        pltpu.VMEM((2, LANES), jnp.float32),
    ],
)
def _sc_mix(x_hbm, cs_hbm, out_hbm, a_v, b_v, cs_v):
    wid = lax.axis_index("s") * NC + lax.axis_index("c")

    pltpu.sync_copy(cs_hbm, cs_v)
    cvec = cs_v[0, :]
    nsvec = cs_v[1, :]

    in2 = (2 * Q + wid * PAIR_PER_W) * B
    in3 = (3 * Q + wid * PAIR_PER_W) * B
    o2 = (wid * PAIR_PER_W) * B
    o3 = (Q + wid * PAIR_PER_W) * B
    for t in range(NT):
        off = t * ELEMS
        pltpu.sync_copy(x_hbm.at[pl.ds(in2 + off, ELEMS)], a_v)
        pltpu.sync_copy(x_hbm.at[pl.ds(in3 + off, ELEMS)], b_v)

        def mix(i, carry):
            base = i * (LANES * UNROLL)
            for u in range(UNROLL):
                sl = pl.ds(base + u * LANES, LANES)
                av = a_v[sl]
                bv = b_v[sl]
                a_v[sl] = cvec * av + nsvec * bv
                b_v[sl] = cvec * bv + nsvec * av
            return carry

        lax.fori_loop(0, ELEMS // (LANES * UNROLL), mix, 0)
        pltpu.sync_copy(a_v, out_hbm.at[pl.ds(o2 + off, ELEMS)])
        pltpu.sync_copy(b_v, out_hbm.at[pl.ds(o3 + off, ELEMS)])


def kernel(x, angle):
    cs = _compute_cs(angle)
    mixed = _sc_mix(x.reshape(-1), cs)
    top = x[: 2 * Q].astype(jnp.complex64)
    bot = mixed.reshape(2 * Q, B).astype(jnp.complex64)
    return jnp.concatenate([top, bot], axis=0)

# --- scband reference (transcript-rebuilt; emitter-appended) ---
"""Pipeline reference for scband-cry-88871463288930 (READ-ONLY COPY).

The authoritative reference and input builder live on the scoring server;
editing this copy changes nothing except your own understanding.
"""

import jax, jax.numpy as jnp
import numpy as np

N = 16
dim = 2
D = dim ** N          # 65536
Dl = D // dim         # 32768
BATCH = 256
t = 1  # target qudit position (index=[0,1]); control c=0; j=1,k=2 -> levels 0,1


def setup_inputs(seed: int = 0) -> dict:
    key = jax.random.key(seed)
    k1, k2 = jax.random.split(key)
    x = jax.random.normal(k1, (D, BATCH), dtype=jnp.float32)
    # learned parameter: self.angle = nn.Parameter(pi * torch.randn(1))
    angle = np.pi * jax.random.normal(k2, (1,), dtype=jnp.float32)
    return {"x": x, "angle": angle}


def reference(x, angle):
    # Faithful translation of CRY.forward with dim=2, index=[0,1], j=1, k=2, sparse=True.
    # For each m in [0, Dl): local = dec2den(m, N-1, 2) (MSB first);
    #   angle_m = local[c] * theta / 2 with c=0 -> local[0] = top bit of m;
    #   listj = insert digit (j-1)=0 at position t=1 -> intj;
    #   listk = insert digit (k-1)=1 at position t=1 -> intk;
    # entries: (intj,intj)=cos, (intk,intk)=cos, (intj,intk)=-sin, (intk,intj)=-sin.
    # dim=2 so the extra l-loop contributes nothing. All indices >= 0 (mask is all-true).
    theta = angle[0]
    m = jnp.arange(Dl, dtype=jnp.int32)
    high = m >> (N - 2)                     # local[0], top digit of the N-1 digit string
    low = m & ((1 << (N - 2)) - 1)          # remaining N-2 digits
    intj = (high << (N - 1)) | low          # digit 0 inserted at position t=1
    intk = intj | (1 << (N - 2))            # digit 1 inserted at position t=1
    a = high.astype(jnp.float32) * theta / 2.0
    c = jnp.cos(a)
    s = jnp.sin(a)
    rows = jnp.concatenate([intj, intk, intj, intk])
    cols = jnp.concatenate([intj, intk, intk, intj])
    vals = jnp.concatenate([c, c, -s, -s]).astype(jnp.complex64)
    xc = x.astype(jnp.complex64)
    # sparse U @ x  ==  gather rows of x by col index, scale, scatter-add into output rows
    gathered = vals[:, None] * jnp.take(xc, cols, axis=0)
    out = jnp.zeros((D, x.shape[1]), dtype=jnp.complex64).at[rows].add(gathered)
    return out

if __name__ == "__main__":
    import jax
    _d = setup_inputs()
    print(jax.jit(kernel)(*tuple(_d.values())))

</pallas_src>

<mosaic_0001>
#map = affine_map<(d0, d1) -> (0)>
#map1 = affine_map<(d0, d1) -> (0, 0)>
module attributes {stable_mosaic.version = 14 : i64} {
  func.func @_sc_mix(%arg0: i32, %arg1: i32, %arg2: memref<16777216xf32, #tpu.memory_space<hbm>>, %arg3: memref<2x16xf32, #tpu.memory_space<hbm>>, %arg4: memref<8388608xf32, #tpu.memory_space<hbm>>, %arg5: memref<32768xf32, #tpu.memory_space<vmem>>, %arg6: memref<32768xf32, #tpu.memory_space<vmem>>, %arg7: memref<2x16xf32, #tpu.memory_space<vmem>>) attributes {dimension_semantics = [#tpu.dimension_semantics<core_parallel>, #tpu.dimension_semantics<subcore_parallel>], iteration_bounds = array<i64: 2, 16>, scalar_prefetch = 0 : i64, scratch_operands = 3 : i64, tpu.core_type = #tpu.core_type<sc_vector_subcore>, window_params = [{transform_indices = #map}, {transform_indices = #map1}, {transform_indices = #map}]} {
    %mul3A = arith.constant 2 : i32
    %mul3A_0 = arith.muli %arg1, %mul3A : i32
    %add3A = arith.addi %mul3A_0, %arg0 : i32
    "tpu.region"() ({
      %run_scoped3A = tpu.sem_alloc : memref<!tpu.dma_semaphore, #tpu.memory_space<semaphore_mem>>
      tpu.enqueue_dma source(%arg3 : memref<2x16xf32, #tpu.memory_space<hbm>>) target(%arg7 : memref<2x16xf32, #tpu.memory_space<vmem>>) target_semaphore(%run_scoped3A : memref<!tpu.dma_semaphore, #tpu.memory_space<semaphore_mem>>)
      tpu.wait_dma2 semaphore(%run_scoped3A : memref<!tpu.dma_semaphore, #tpu.memory_space<semaphore_mem>>) src(%arg3 : memref<2x16xf32, #tpu.memory_space<hbm>>) dst(%arg7 : memref<2x16xf32, #tpu.memory_space<vmem>>)
      tpu.yield
    }) : () -> ()
    %get3A = arith.constant 0 : i32
    %get3A_1 = arith.index_cast %get3A : i32 to index
    %get3A_2 = arith.constant 0 : index
    %get3A_3 = tpu.vector_load %arg7[%get3A_1, %get3A_2] {strides = array<i32>} : memref<2x16xf32, #tpu.memory_space<vmem>>, vector<1x16xf32>,
    %get3A_4 = vector.shape_cast %get3A_3 : vector<1x16xf32> to vector<16xf32>
    %get3A_5 = arith.constant 1 : i32
    %get3A_6 = arith.index_cast %get3A_5 : i32 to index
    %get3A_7 = arith.constant 0 : index
    %get3A_8 = tpu.vector_load %arg7[%get3A_6, %get3A_7] {strides = array<i32>} : memref<2x16xf32, #tpu.memory_space<vmem>>, vector<1x16xf32>,
    %get3A_9 = vector.shape_cast %get3A_8 : vector<1x16xf32> to vector<16xf32>
    %mul3A_10 = arith.constant 512 : i32
    %mul3A_11 = arith.muli %add3A, %mul3A_10 : i32
    %add3A_12 = arith.constant 32768 : i32
    %add3A_13 = arith.addi %add3A_12, %mul3A_11 : i32
    %mul3A_14 = arith.constant 256 : i32
    %mul3A_15 = arith.muli %add3A_13, %mul3A_14 : i32
    %mul3A_16 = arith.constant 512 : i32
    %mul3A_17 = arith.muli %add3A, %mul3A_16 : i32
    %add3A_18 = arith.constant 49152 : i32
    %add3A_19 = arith.addi %add3A_18, %mul3A_17 : i32
    %mul3A_20 = arith.constant 256 : i32
    %mul3A_21 = arith.muli %add3A_19, %mul3A_20 : i32
    %mul3A_22 = arith.constant 512 : i32
    %mul3A_23 = arith.muli %add3A, %mul3A_22 : i32
    %mul3A_24 = arith.constant 256 : i32
    %mul3A_25 = arith.muli %mul3A_23, %mul3A_24 : i32
    %mul3A_26 = arith.constant 512 : i32
    %mul3A_27 = arith.muli %add3A, %mul3A_26 : i32
    %add3A_28 = arith.constant 16384 : i32
    %add3A_29 = arith.addi %add3A_28, %mul3A_27 : i32
    %mul3A_30 = arith.constant 256 : i32
    %mul3A_31 = arith.muli %add3A_29, %mul3A_30 : i32
    %add3A_32 = arith.constant 0 : i32
    %add3A_33 = arith.addi %mul3A_15, %add3A_32 : i32
    "tpu.region"() ({
      %run_scoped3A = tpu.sem_alloc : memref<!tpu.dma_semaphore, #tpu.memory_space<semaphore_mem>>
      %dma_start3A = tpu.memref_slice %arg2[%add3A_33] : memref<16777216xf32, #tpu.memory_space<hbm>> -> memref<32768xf32, #tpu.memory_space<hbm>>
      %dma_start3A_87 = tpu.memref_slice %arg2[%add3A_33] : memref<16777216xf32, #tpu.memory_space<hbm>> -> memref<32768xf32, #tpu.memory_space<hbm>>
      tpu.enqueue_dma source(%dma_start3A_87 : memref<32768xf32, #tpu.memory_space<hbm>>) target(%arg5 : memref<32768xf32, #tpu.memory_space<vmem>>) target_semaphore(%run_scoped3A : memref<!tpu.dma_semaphore, #tpu.memory_space<semaphore_mem>>)
      %dma_wait3A = tpu.memref_slice %arg2[%add3A_33] : memref<16777216xf32, #tpu.memory_space<hbm>> -> memref<32768xf32, #tpu.memory_space<hbm>>
      %dma_wait3A_88 = tpu.memref_slice %arg2[%add3A_33] : memref<16777216xf32, #tpu.memory_space<hbm>> -> memref<32768xf32, #tpu.memory_space<hbm>>
      tpu.wait_dma2 semaphore(%run_scoped3A : memref<!tpu.dma_semaphore, #tpu.memory_space<semaphore_mem>>) src(%dma_wait3A_88 : memref<32768xf32, #tpu.memory_space<hbm>>) dst(%arg5 : memref<32768xf32, #tpu.memory_space<vmem>>)
      tpu.yield
    }) : () -> ()
    %add3A_34 = arith.constant 0 : i32
    %add3A_35 = arith.addi %mul3A_21, %add3A_34 : i32
    "tpu.region"() ({
      %run_scoped3A = tpu.sem_alloc : memref<!tpu.dma_semaphore, #tpu.memory_space<semaphore_mem>>
      %dma_start3A = tpu.memref_slice %arg2[%add3A_35] : memref<16777216xf32, #tpu.memory_space<hbm>> -> memref<32768xf32, #tpu.memory_space<hbm>>
      %dma_start3A_87 = tpu.memref_slice %arg2[%add3A_35] : memref<16777216xf32, #tpu.memory_space<hbm>> -> memref<32768xf32, #tpu.memory_space<hbm>>
      tpu.enqueue_dma source(%dma_start3A_87 : memref<32768xf32, #tpu.memory_space<hbm>>) target(%arg6 : memref<32768xf32, #tpu.memory_space<vmem>>) target_semaphore(%run_scoped3A : memref<!tpu.dma_semaphore, #tpu.memory_space<semaphore_mem>>)
      %dma_wait3A = tpu.memref_slice %arg2[%add3A_35] : memref<16777216xf32, #tpu.memory_space<hbm>> -> memref<32768xf32, #tpu.memory_space<hbm>>
      %dma_wait3A_88 = tpu.memref_slice %arg2[%add3A_35] : memref<16777216xf32, #tpu.memory_space<hbm>> -> memref<32768xf32, #tpu.memory_space<hbm>>
      tpu.wait_dma2 semaphore(%run_scoped3A : memref<!tpu.dma_semaphore, #tpu.memory_space<semaphore_mem>>) src(%dma_wait3A_88 : memref<32768xf32, #tpu.memory_space<hbm>>) dst(%arg6 : memref<32768xf32, #tpu.memory_space<vmem>>)
      tpu.yield
    }) : () -> ()
    %scan3A = arith.constant 0 : i32
    %scan3A_36 = arith.constant 0 : i32
    %scan3A_37 = arith.constant 256 : i32
    %scan3A_38 = arith.addi %scan3A_36, %scan3A_37 : i32
    %scan3A_39 = arith.constant 1 : i32
    scf.for %scan3A_87 = %scan3A_36 to %scan3A_38 step %scan3A_39  : i32 {
      %mul3A_88 = arith.constant 128 : i32
      %mul3A_89 = arith.muli %scan3A_87, %mul3A_88 : i32
      %add3A_90 = arith.constant 0 : i32
      %add3A_91 = arith.addi %mul3A_89, %add3A_90 : i32
      %get3A_92 = arith.index_cast %add3A_91 : i32 to index
      %get3A_93 = tpu.vector_load %arg5[%get3A_92] {strides = array<i32>} : memref<32768xf32, #tpu.memory_space<vmem>>, vector<16xf32>,
      %get3A_94 = vector.shape_cast %get3A_93 : vector<16xf32> to vector<16xf32>
      %get3A_95 = arith.index_cast %add3A_91 : i32 to index
      %get3A_96 = tpu.vector_load %arg6[%get3A_95] {strides = array<i32>} : memref<32768xf32, #tpu.memory_space<vmem>>, vector<16xf32>,
      %get3A_97 = vector.shape_cast %get3A_96 : vector<16xf32> to vector<16xf32>
      %mul3A_98 = arith.mulf %get3A_4, %get3A_94 : vector<16xf32>
      %mul3A_99 = arith.mulf %get3A_9, %get3A_97 : vector<16xf32>
      %add3A_100 = arith.addf %mul3A_98, %mul3A_99 : vector<16xf32>
      %swap3A = arith.index_cast %add3A_91 : i32 to index
      %swap3A_101 = tpu.vector_load %arg5[%swap3A] {strides = array<i32>} : memref<32768xf32, #tpu.memory_space<vmem>>, vector<16xf32>,
      %swap3A_102 = vector.shape_cast %swap3A_101 : vector<16xf32> to vector<16xf32>
      %swap3A_103 = vector.shape_cast %add3A_100 : vector<16xf32> to vector<16xf32>
      tpu.vector_store %arg5[%swap3A], %swap3A_103 {strides = array<i32>} : memref<32768xf32, #tpu.memory_space<vmem>>, vector<16xf32>,
      %mul3A_104 = arith.mulf %get3A_4, %get3A_97 : vector<16xf32>
      %mul3A_105 = arith.mulf %get3A_9, %get3A_94 : vector<16xf32>
      %add3A_106 = arith.addf %mul3A_104, %mul3A_105 : vector<16xf32>
      %swap3A_107 = arith.index_cast %add3A_91 : i32 to index
      %swap3A_108 = tpu.vector_load %arg6[%swap3A_107] {strides = array<i32>} : memref<32768xf32, #tpu.memory_space<vmem>>, vector<16xf32>,
      %swap3A_109 = vector.shape_cast %swap3A_108 : vector<16xf32> to vector<16xf32>
      %swap3A_110 = vector.shape_cast %add3A_106 : vector<16xf32> to vector<16xf32>
      tpu.vector_store %arg6[%swap3A_107], %swap3A_110 {strides = array<i32>} : memref<32768xf32, #tpu.memory_space<vmem>>, vector<16xf32>,
      %add3A_111 = arith.constant 16 : i32
      %add3A_112 = arith.addi %mul3A_89, %add3A_111 : i32
      %get3A_113 = arith.index_cast %add3A_112 : i32 to index
      %get3A_114 = tpu.vector_load %arg5[%get3A_113] {strides = array<i32>} : memref<32768xf32, #tpu.memory_space<vmem>>, vector<16xf32>,
      %get3A_115 = vector.shape_cast %get3A_114 : vector<16xf32> to vector<16xf32>
      %get3A_116 = arith.index_cast %add3A_112 : i32 to index
      %get3A_117 = tpu.vector_load %arg6[%get3A_116] {strides = array<i32>} : memref<32768xf32, #tpu.memory_space<vmem>>, vector<16xf32>,
      %get3A_118 = vector.shape_cast %get3A_117 : vector<16xf32> to vector<16xf32>
      %mul3A_119 = arith.mulf %get3A_4, %get3A_115 : vector<16xf32>
      %mul3A_120 = arith.mulf %get3A_9, %get3A_118 : vector<16xf32>
      %add3A_121 = arith.addf %mul3A_119, %mul3A_120 : vector<16xf32>
      %swap3A_122 = arith.index_cast %add3A_112 : i32 to index
      %swap3A_123 = tpu.vector_load %arg5[%swap3A_122] {strides = array<i32>} : memref<32768xf32, #tpu.memory_space<vmem>>, vector<16xf32>,
      %swap3A_124 = vector.shape_cast %swap3A_123 : vector<16xf32> to vector<16xf32>
      %swap3A_125 = vector.shape_cast %add3A_121 : vector<16xf32> to vector<16xf32>
      tpu.vector_store %arg5[%swap3A_122], %swap3A_125 {strides = array<i32>} : memref<32768xf32, #tpu.memory_space<vmem>>, vector<16xf32>,
      %mul3A_126 = arith.mulf %get3A_4, %get3A_118 : vector<16xf32>
      %mul3A_127 = arith.mulf %get3A_9, %get3A_115 : vector<16xf32>
      %add3A_128 = arith.addf %mul3A_126, %mul3A_127 : vector<16xf32>
      %swap3A_129 = arith.index_cast %add3A_112 : i32 to index
      %swap3A_130 = tpu.vector_load %arg6[%swap3A_129] {strides = array<i32>} : memref<32768xf32, #tpu.memory_space<vmem>>, vector<16xf32>,
      %swap3A_131 = vector.shape_cast %swap3A_130 : vector<16xf32> to vector<16xf32>
      %swap3A_132 = vector.shape_cast %add3A_128 : vector<16xf32> to vector<16xf32>
      tpu.vector_store %arg6[%swap3A_129], %swap3A_132 {strides = array<i32>} : memref<32768xf32, #tpu.memory_space<vmem>>, vector<16xf32>,
      %add3A_133 = arith.constant 32 : i32
      %add3A_134 = arith.addi %mul3A_89, %add3A_133 : i32
      %get3A_135 = arith.index_cast %add3A_134 : i32 to index
      %get3A_136 = tpu.vector_load %arg5[%get3A_135] {strides = array<i32>} : memref<32768xf32, #tpu.memory_space<vmem>>, vector<16xf32>,
      %get3A_137 = vector.shape_cast %get3A_136 : vector<16xf32> to vector<16xf32>
      %get3A_138 = arith.index_cast %add3A_134 : i32 to index
      %get3A_139 = tpu.vector_load %arg6[%get3A_138] {strides = array<i32>} : memref<32768xf32, #tpu.memory_space<vmem>>, vector<16xf32>,
      %get3A_140 = vector.shape_cast %get3A_139 : vector<16xf32> to vector<16xf32>
      %mul3A_141 = arith.mulf %get3A_4, %get3A_137 : vector<16xf32>
      %mul3A_142 = arith.mulf %get3A_9, %get3A_140 : vector<16xf32>
      %add3A_143 = arith.addf %mul3A_141, %mul3A_142 : vector<16xf32>
      %swap3A_144 = arith.index_cast %add3A_134 : i32 to index
      %swap3A_145 = tpu.vector_load %arg5[%swap3A_144] {strides = array<i32>} : memref<32768xf32, #tpu.memory_space<vmem>>, vector<16xf32>,
      %swap3A_146 = vector.shape_cast %swap3A_145 : vector<16xf32> to vector<16xf32>
      %swap3A_147 = vector.shape_cast %add3A_143 : vector<16xf32> to vector<16xf32>
      tpu.vector_store %arg5[%swap3A_144], %swap3A_147 {strides = array<i32>} : memref<32768xf32, #tpu.memory_space<vmem>>, vector<16xf32>,
      %mul3A_148 = arith.mulf %get3A_4, %get3A_140 : vector<16xf32>
      %mul3A_149 = arith.mulf %get3A_9, %get3A_137 : vector<16xf32>
      %add3A_150 = arith.addf %mul3A_148, %mul3A_149 : vector<16xf32>
      %swap3A_151 = arith.index_cast %add3A_134 : i32 to index
      %swap3A_152 = tpu.vector_load %arg6[%swap3A_151] {strides = array<i32>} : memref<32768xf32, #tpu.memory_space<vmem>>, vector<16xf32>,
      %swap3A_153 = vector.shape_cast %swap3A_152 : vector<16xf32> to vector<16xf32>
      %swap3A_154 = vector.shape_cast %add3A_150 : vector<16xf32> to vector<16xf32>
      tpu.vector_store %arg6[%swap3A_151], %swap3A_154 {strides = array<i32>} : memref<32768xf32, #tpu.memory_space<vmem>>, vector<16xf32>,
      %add3A_155 = arith.constant 48 : i32
      %add3A_156 = arith.addi %mul3A_89, %add3A_155 : i32
      %get3A_157 = arith.index_cast %add3A_156 : i32 to index
      %get3A_158 = tpu.vector_load %arg5[%get3A_157] {strides = array<i32>} : memref<32768xf32, #tpu.memory_space<vmem>>, vector<16xf32>,
      %get3A_159 = vector.shape_cast %get3A_158 : vector<16xf32> to vector<16xf32>
      %get3A_160 = arith.index_cast %add3A_156 : i32 to index
      %get3A_161 = tpu.vector_load %arg6[%get3A_160] {strides = array<i32>} : memref<32768xf32, #tpu.memory_space<vmem>>, vector<16xf32>,
      %get3A_162 = vector.shape_cast %get3A_161 : vector<16xf32> to vector<16xf32>
      %mul3A_163 = arith.mulf %get3A_4, %get3A_159 : vector<16xf32>
      %mul3A_164 = arith.mulf %get3A_9, %get3A_162 : vector<16xf32>
      %add3A_165 = arith.addf %mul3A_163, %mul3A_164 : vector<16xf32>
      %swap3A_166 = arith.index_cast %add3A_156 : i32 to index
      %swap3A_167 = tpu.vector_load %arg5[%swap3A_166] {strides = array<i32>} : memref<32768xf32, #tpu.memory_space<vmem>>, vector<16xf32>,
      %swap3A_168 = vector.shape_cast %swap3A_167 : vector<16xf32> to vector<16xf32>
      %swap3A_169 = vector.shape_cast %add3A_165 : vector<16xf32> to vector<16xf32>
      tpu.vector_store %arg5[%swap3A_166], %swap3A_169 {strides = array<i32>} : memref<32768xf32, #tpu.memory_space<vmem>>, vector<16xf32>,
      %mul3A_170 = arith.mulf %get3A_4, %get3A_162 : vector<16xf32>
      %mul3A_171 = arith.mulf %get3A_9, %get3A_159 : vector<16xf32>
      %add3A_172 = arith.addf %mul3A_170, %mul3A_171 : vector<16xf32>
      %swap3A_173 = arith.index_cast %add3A_156 : i32 to index
      %swap3A_174 = tpu.vector_load %arg6[%swap3A_173] {strides = array<i32>} : memref<32768xf32, #tpu.memory_space<vmem>>, vector<16xf32>,
      %swap3A_175 = vector.shape_cast %swap3A_174 : vector<16xf32> to vector<16xf32>
      %swap3A_176 = vector.shape_cast %add3A_172 : vector<16xf32> to vector<16xf32>
      tpu.vector_store %arg6[%swap3A_173], %swap3A_176 {strides = array<i32>} : memref<32768xf32, #tpu.memory_space<vmem>>, vector<16xf32>,
      %add3A_177 = arith.constant 64 : i32
      %add3A_178 = arith.addi %mul3A_89, %add3A_177 : i32
      %get3A_179 = arith.index_cast %add3A_178 : i32 to index
      %get3A_180 = tpu.vector_load %arg5[%get3A_179] {strides = array<i32>} : memref<32768xf32, #tpu.memory_space<vmem>>, vector<16xf32>,
      %get3A_181 = vector.shape_cast %get3A_180 : vector<16xf32> to vector<16xf32>
      %get3A_182 = arith.index_cast %add3A_178 : i32 to index
      %get3A_183 = tpu.vector_load %arg6[%get3A_182] {strides = array<i32>} : memref<32768xf32, #tpu.memory_space<vmem>>, vector<16xf32>,
      %get3A_184 = vector.shape_cast %get3A_183 : vector<16xf32> to vector<16xf32>
      %mul3A_185 = arith.mulf %get3A_4, %get3A_181 : vector<16xf32>
      %mul3A_186 = arith.mulf %get3A_9, %get3A_184 : vector<16xf32>
      %add3A_187 = arith.addf %mul3A_185, %mul3A_186 : vector<16xf32>
      %swap3A_188 = arith.index_cast %add3A_178 : i32 to index
      %swap3A_189 = tpu.vector_load %arg5[%swap3A_188] {strides = array<i32>} : memref<32768xf32, #tpu.memory_space<vmem>>, vector<16xf32>,
      %swap3A_190 = vector.shape_cast %swap3A_189 : vector<16xf32> to vector<16xf32>
      %swap3A_191 = vector.shape_cast %add3A_187 : vector<16xf32> to vector<16xf32>
      tpu.vector_store %arg5[%swap3A_188], %swap3A_191 {strides = array<i32>} : memref<32768xf32, #tpu.memory_space<vmem>>, vector<16xf32>,
      %mul3A_192 = arith.mulf %get3A_4, %get3A_184 : vector<16xf32>
      %mul3A_193 = arith.mulf %get3A_9, %get3A_181 : vector<16xf32>
      %add3A_194 = arith.addf %mul3A_192, %mul3A_193 : vector<16xf32>
      %swap3A_195 = arith.index_cast %add3A_178 : i32 to index
      %swap3A_196 = tpu.vector_load %arg6[%swap3A_195] {strides = array<i32>} : memref<32768xf32, #tpu.memory_space<vmem>>, vector<16xf32>,
      %swap3A_197 = vector.shape_cast %swap3A_196 : vector<16xf32> to vector<16xf32>
      %swap3A_198 = vector.shape_cast %add3A_194 : vector<16xf32> to vector<16xf32>
      tpu.vector_store %arg6[%swap3A_195], %swap3A_198 {strides = array<i32>} : memref<32768xf32, #tpu.memory_space<vmem>>, vector<16xf32>,
      %add3A_199 = arith.constant 80 : i32
      %add3A_200 = arith.addi %mul3A_89, %add3A_199 : i32
      %get3A_201 = arith.index_cast %add3A_200 : i32 to index
      %get3A_202 = tpu.vector_load %arg5[%get3A_201] {strides = array<i32>} : memref<32768xf32, #tpu.memory_space<vmem>>, vector<16xf32>,
      %get3A_203 = vector.shape_cast %get3A_202 : vector<16xf32> to vector<16xf32>
      %get3A_204 = arith.index_cast %add3A_200 : i32 to index
      %get3A_205 = tpu.vector_load %arg6[%get3A_204] {strides = array<i32>} : memref<32768xf32, #tpu.memory_space<vmem>>, vector<16xf32>,
      %get3A_206 = vector.shape_cast %get3A_205 : vector<16xf32> to vector<16xf32>
      %mul3A_207 = arith.mulf %get3A_4, %get3A_203 : vector<16xf32>
      %mul3A_208 = arith.mulf %get3A_9, %get3A_206 : vector<16xf32>
      %add3A_209 = arith.addf %mul3A_207, %mul3A_208 : vector<16xf32>
      %swap3A_210 = arith.index_cast %add3A_200 : i32 to index
      %swap3A_211 = tpu.vector_load %arg5[%swap3A_210] {strides = array<i32>} : memref<32768xf32, #tpu.memory_space<vmem>>, vector<16xf32>,
      %swap3A_212 = vector.shape_cast %swap3A_211 : vector<16xf32> to vector<16xf32>
      %swap3A_213 = vector.shape_cast %add3A_209 : vector<16xf32> to vector<16xf32>
      tpu.vector_store %arg5[%swap3A_210], %swap3A_213 {strides = array<i32>} : memref<32768xf32, #tpu.memory_space<vmem>>, vector<16xf32>,
      %mul3A_214 = arith.mulf %get3A_4, %get3A_206 : vector<16xf32>
      %mul3A_215 = arith.mulf %get3A_9, %get3A_203 : vector<16xf32>
      %add3A_216 = arith.addf %mul3A_214, %mul3A_215 : vector<16xf32>
      %swap3A_217 = arith.index_cast %add3A_200 : i32 to index
      %swap3A_218 = tpu.vector_load %arg6[%swap3A_217] {strides = array<i32>} : memref<32768xf32, #tpu.memory_space<vmem>>, vector<16xf32>,
      %swap3A_219 = vector.shape_cast %swap3A_218 : vector<16xf32> to vector<16xf32>
      %swap3A_220 = vector.shape_cast %add3A_216 : vector<16xf32> to vector<16xf32>
      tpu.vector_store %arg6[%swap3A_217], %swap3A_220 {strides = array<i32>} : memref<32768xf32, #tpu.memory_space<vmem>>, vector<16xf32>,
      %add3A_221 = arith.constant 96 : i32
      %add3A_222 = arith.addi %mul3A_89, %add3A_221 : i32
      %get3A_223 = arith.index_cast %add3A_222 : i32 to index
      %get3A_224 = tpu.vector_load %arg5[%get3A_223] {strides = array<i32>} : memref<32768xf32, #tpu.memory_space<vmem>>, vector<16xf32>,
      %get3A_225 = vector.shape_cast %get3A_224 : vector<16xf32> to vector<16xf32>
      %get3A_226 = arith.index_cast %add3A_222 : i32 to index
      %get3A_227 = tpu.vector_load %arg6[%get3A_226] {strides = array<i32>} : memref<32768xf32, #tpu.memory_space<vmem>>, vector<16xf32>,
      %get3A_228 = vector.shape_cast %get3A_227 : vector<16xf32> to vector<16xf32>
      %mul3A_229 = arith.mulf %get3A_4, %get3A_225 : vector<16xf32>
      %mul3A_230 = arith.mulf %get3A_9, %get3A_228 : vector<16xf32>
      %add3A_231 = arith.addf %mul3A_229, %mul3A_230 : vector<16xf32>
      %swap3A_232 = arith.index_cast %add3A_222 : i32 to index
      %swap3A_233 = tpu.vector_load %arg5[%swap3A_232] {strides = array<i32>} : memref<32768xf32, #tpu.memory_space<vmem>>, vector<16xf32>,
      %swap3A_234 = vector.shape_cast %swap3A_233 : vector<16xf32> to vector<16xf32>
      %swap3A_235 = vector.shape_cast %add3A_231 : vector<16xf32> to vector<16xf32>
      tpu.vector_store %arg5[%swap3A_232], %swap3A_235 {strides = array<i32>} : memref<32768xf32, #tpu.memory_space<vmem>>, vector<16xf32>,
      %mul3A_236 = arith.mulf %get3A_4, %get3A_228 : vector<16xf32>
      %mul3A_237 = arith.mulf %get3A_9, %get3A_225 : vector<16xf32>
      %add3A_238 = arith.addf %mul3A_236, %mul3A_237 : vector<16xf32>
      %swap3A_239 = arith.index_cast %add3A_222 : i32 to index
      %swap3A_240 = tpu.vector_load %arg6[%swap3A_239] {strides = array<i32>} : memref<32768xf32, #tpu.memory_space<vmem>>, vector<16xf32>,
      %swap3A_241 = vector.shape_cast %swap3A_240 : vector<16xf32> to vector<16xf32>
      %swap3A_242 = vector.shape_cast %add3A_238 : vector<16xf32> to vector<16xf32>
      tpu.vector_store %arg6[%swap3A_239], %swap3A_242 {strides = array<i32>} : memref<32768xf32, #tpu.memory_space<vmem>>, vector<16xf32>,
      %add3A_243 = arith.constant 112 : i32
      %add3A_244 = arith.addi %mul3A_89, %add3A_243 : i32
      %get3A_245 = arith.index_cast %add3A_244 : i32 to index
      %get3A_246 = tpu.vector_load %arg5[%get3A_245] {strides = array<i32>} : memref<32768xf32, #tpu.memory_space<vmem>>, vector<16xf32>,
      %get3A_247 = vector.shape_cast %get3A_246 : vector<16xf32> to vector<16xf32>
      %get3A_248 = arith.index_cast %add3A_244 : i32 to index
      %get3A_249 = tpu.vector_load %arg6[%get3A_248] {strides = array<i32>} : memref<32768xf32, #tpu.memory_space<vmem>>, vector<16xf32>,
      %get3A_250 = vector.shape_cast %get3A_249 : vector<16xf32> to vector<16xf32>
      %mul3A_251 = arith.mulf %get3A_4, %get3A_247 : vector<16xf32>
      %mul3A_252 = arith.mulf %get3A_9, %get3A_250 : vector<16xf32>
      %add3A_253 = arith.addf %mul3A_251, %mul3A_252 : vector<16xf32>
      %swap3A_254 = arith.index_cast %add3A_244 : i32 to index
      %swap3A_255 = tpu.vector_load %arg5[%swap3A_254] {strides = array<i32>} : memref<32768xf32, #tpu.memory_space<vmem>>, vector<16xf32>,
      %swap3A_256 = vector.shape_cast %swap3A_255 : vector<16xf32> to vector<16xf32>
      %swap3A_257 = vector.shape_cast %add3A_253 : vector<16xf32> to vector<16xf32>
      tpu.vector_store %arg5[%swap3A_254], %swap3A_257 {strides = array<i32>} : memref<32768xf32, #tpu.memory_space<vmem>>, vector<16xf32>,
      %mul3A_258 = arith.mulf %get3A_4, %get3A_250 : vector<16xf32>
      %mul3A_259 = arith.mulf %get3A_9, %get3A_247 : vector<16xf32>
      %add3A_260 = arith.addf %mul3A_258, %mul3A_259 : vector<16xf32>
      %swap3A_261 = arith.index_cast %add3A_244 : i32 to index
      %swap3A_262 = tpu.vector_load %arg6[%swap3A_261] {strides = array<i32>} : memref<32768xf32, #tpu.memory_space<vmem>>, vector<16xf32>,
      %swap3A_263 = vector.shape_cast %swap3A_262 : vector<16xf32> to vector<16xf32>
      %swap3A_264 = vector.shape_cast %add3A_260 : vector<16xf32> to vector<16xf32>
      tpu.vector_store %arg6[%swap3A_261], %swap3A_264 {strides = array<i32>} : memref<32768xf32, #tpu.memory_space<vmem>>, vector<16xf32>,
    }
    %scan3A_40 = arith.constant 256 : i32
    %add3A_41 = arith.constant 0 : i32
    %add3A_42 = arith.addi %mul3A_25, %add3A_41 : i32
    "tpu.region"() ({
      %run_scoped3A = tpu.sem_alloc : memref<!tpu.dma_semaphore, #tpu.memory_space<semaphore_mem>>
      %dma_start3A = tpu.memref_slice %arg4[%add3A_42] : memref<8388608xf32, #tpu.memory_space<hbm>> -> memref<32768xf32, #tpu.memory_space<hbm>>
      %dma_start3A_87 = tpu.memref_slice %arg4[%add3A_42] : memref<8388608xf32, #tpu.memory_space<hbm>> -> memref<32768xf32, #tpu.memory_space<hbm>>
      tpu.enqueue_dma source(%arg5 : memref<32768xf32, #tpu.memory_space<vmem>>) target(%dma_start3A_87 : memref<32768xf32, #tpu.memory_space<hbm>>) target_semaphore(%run_scoped3A : memref<!tpu.dma_semaphore, #tpu.memory_space<semaphore_mem>>)
      %dma_wait3A = tpu.memref_slice %arg4[%add3A_42] : memref<8388608xf32, #tpu.memory_space<hbm>> -> memref<32768xf32, #tpu.memory_space<hbm>>
      %dma_wait3A_88 = tpu.memref_slice %arg4[%add3A_42] : memref<8388608xf32, #tpu.memory_space<hbm>> -> memref<32768xf32, #tpu.memory_space<hbm>>
      tpu.wait_dma2 semaphore(%run_scoped3A : memref<!tpu.dma_semaphore, #tpu.memory_space<semaphore_mem>>) src(%arg5 : memref<32768xf32, #tpu.memory_space<vmem>>) dst(%dma_wait3A_88 : memref<32768xf32, #tpu.memory_space<hbm>>)
      tpu.yield
    }) : () -> ()
    %add3A_43 = arith.constant 0 : i32
    %add3A_44 = arith.addi %mul3A_31, %add3A_43 : i32
    "tpu.region"() ({
      %run_scoped3A = tpu.sem_alloc : memref<!tpu.dma_semaphore, #tpu.memory_space<semaphore_mem>>
      %dma_start3A = tpu.memref_slice %arg4[%add3A_44] : memref<8388608xf32, #tpu.memory_space<hbm>> -> memref<32768xf32, #tpu.memory_space<hbm>>
      %dma_start3A_87 = tpu.memref_slice %arg4[%add3A_44] : memref<8388608xf32, #tpu.memory_space<hbm>> -> memref<32768xf32, #tpu.memory_space<hbm>>
      tpu.enqueue_dma source(%arg6 : memref<32768xf32, #tpu.memory_space<vmem>>) target(%dma_start3A_87 : memref<32768xf32, #tpu.memory_space<hbm>>) target_semaphore(%run_scoped3A : memref<!tpu.dma_semaphore, #tpu.memory_space<semaphore_mem>>)
      %dma_wait3A = tpu.memref_slice %arg4[%add3A_44] : memref<8388608xf32, #tpu.memory_space<hbm>> -> memref<32768xf32, #tpu.memory_space<hbm>>
      %dma_wait3A_88 = tpu.memref_slice %arg4[%add3A_44] : memref<8388608xf32, #tpu.memory_space<hbm>> -> memref<32768xf32, #tpu.memory_space<hbm>>
      tpu.wait_dma2 semaphore(%run_scoped3A : memref<!tpu.dma_semaphore, #tpu.memory_space<semaphore_mem>>) src(%arg6 : memref<32768xf32, #tpu.memory_space<vmem>>) dst(%dma_wait3A_88 : memref<32768xf32, #tpu.memory_space<hbm>>)
      tpu.yield
    }) : () -> ()
    %add3A_45 = arith.constant 32768 : i32
    %add3A_46 = arith.addi %mul3A_15, %add3A_45 : i32
    "tpu.region"() ({
      %run_scoped3A = tpu.sem_alloc : memref<!tpu.dma_semaphore, #tpu.memory_space<semaphore_mem>>
      %dma_start3A = tpu.memref_slice %arg2[%add3A_46] : memref<16777216xf32, #tpu.memory_space<hbm>> -> memref<32768xf32, #tpu.memory_space<hbm>>
      %dma_start3A_87 = tpu.memref_slice %arg2[%add3A_46] : memref<16777216xf32, #tpu.memory_space<hbm>> -> memref<32768xf32, #tpu.memory_space<hbm>>
      tpu.enqueue_dma source(%dma_start3A_87 : memref<32768xf32, #tpu.memory_space<hbm>>) target(%arg5 : memref<32768xf32, #tpu.memory_space<vmem>>) target_semaphore(%run_scoped3A : memref<!tpu.dma_semaphore, #tpu.memory_space<semaphore_mem>>)
      %dma_wait3A = tpu.memref_slice %arg2[%add3A_46] : memref<16777216xf32, #tpu.memory_space<hbm>> -> memref<32768xf32, #tpu.memory_space<hbm>>
      %dma_wait3A_88 = tpu.memref_slice %arg2[%add3A_46] : memref<16777216xf32, #tpu.memory_space<hbm>> -> memref<32768xf32, #tpu.memory_space<hbm>>
      tpu.wait_dma2 semaphore(%run_scoped3A : memref<!tpu.dma_semaphore, #tpu.memory_space<semaphore_mem>>) src(%dma_wait3A_88 : memref<32768xf32, #tpu.memory_space<hbm>>) dst(%arg5 : memref<32768xf32, #tpu.memory_space<vmem>>)
      tpu.yield
    }) : () -> ()
    %add3A_47 = arith.constant 32768 : i32
    %add3A_48 = arith.addi %mul3A_21, %add3A_47 : i32
    "tpu.region"() ({
      %run_scoped3A = tpu.sem_alloc : memref<!tpu.dma_semaphore, #tpu.memory_space<semaphore_mem>>
      %dma_start3A = tpu.memref_slice %arg2[%add3A_48] : memref<16777216xf32, #tpu.memory_space<hbm>> -> memref<32768xf32, #tpu.memory_space<hbm>>
      %dma_start3A_87 = tpu.memref_slice %arg2[%add3A_48] : memref<16777216xf32, #tpu.memory_space<hbm>> -> memref<32768xf32, #tpu.memory_space<hbm>>
      tpu.enqueue_dma source(%dma_start3A_87 : memref<32768xf32, #tpu.memory_space<hbm>>) target(%arg6 : memref<32768xf32, #tpu.memory_space<vmem>>) target_semaphore(%run_scoped3A : memref<!tpu.dma_semaphore, #tpu.memory_space<semaphore_mem>>)
      %dma_wait3A = tpu.memref_slice %arg2[%add3A_48] : memref<16777216xf32, #tpu.memory_space<hbm>> -> memref<32768xf32, #tpu.memory_space<hbm>>
      %dma_wait3A_88 = tpu.memref_slice %arg2[%add3A_48] : memref<16777216xf32, #tpu.memory_space<hbm>> -> memref<32768xf32, #tpu.memory_space<hbm>>
      tpu.wait_dma2 semaphore(%run_scoped3A : memref<!tpu.dma_semaphore, #tpu.memory_space<semaphore_mem>>) src(%dma_wait3A_88 : memref<32768xf32, #tpu.memory_space<hbm>>) dst(%arg6 : memref<32768xf32, #tpu.memory_space<vmem>>)
      tpu.yield
    }) : () -> ()
    %scan3A_49 = arith.constant 0 : i32
    %scan3A_50 = arith.constant 0 : i32
    %scan3A_51 = arith.constant 256 : i32
    %scan3A_52 = arith.addi %scan3A_50, %scan3A_51 : i32
    %scan3A_53 = arith.constant 1 : i32
    scf.for %scan3A_87 = %scan3A_50 to %scan3A_52 step %scan3A_53  : i32 {
      %mul3A_88 = arith.constant 128 : i32
      %mul3A_89 = arith.muli %scan3A_87, %mul3A_88 : i32
      %add3A_90 = arith.constant 0 : i32
      %add3A_91 = arith.addi %mul3A_89, %add3A_90 : i32
      %get3A_92 = arith.index_cast %add3A_91 : i32 to index
      %get3A_93 = tpu.vector_load %arg5[%get3A_92] {strides = array<i32>} : memref<32768xf32, #tpu.memory_space<vmem>>, vector<16xf32>,
      %get3A_94 = vector.shape_cast %get3A_93 : vector<16xf32> to vector<16xf32>
      %get3A_95 = arith.index_cast %add3A_91 : i32 to index
      %get3A_96 = tpu.vector_load %arg6[%get3A_95] {strides = array<i32>} : memref<32768xf32, #tpu.memory_space<vmem>>, vector<16xf32>,
      %get3A_97 = vector.shape_cast %get3A_96 : vector<16xf32> to vector<16xf32>
      %mul3A_98 = arith.mulf %get3A_4, %get3A_94 : vector<16xf32>
      %mul3A_99 = arith.mulf %get3A_9, %get3A_97 : vector<16xf32>
      %add3A_100 = arith.addf %mul3A_98, %mul3A_99 : vector<16xf32>
      %swap3A = arith.index_cast %add3A_91 : i32 to index
      %swap3A_101 = tpu.vector_load %arg5[%swap3A] {strides = array<i32>} : memref<32768xf32, #tpu.memory_space<vmem>>, vector<16xf32>,
      %swap3A_102 = vector.shape_cast %swap3A_101 : vector<16xf32> to vector<16xf32>
      %swap3A_103 = vector.shape_cast %add3A_100 : vector<16xf32> to vector<16xf32>
      tpu.vector_store %arg5[%swap3A], %swap3A_103 {strides = array<i32>} : memref<32768xf32, #tpu.memory_space<vmem>>, vector<16xf32>,
      %mul3A_104 = arith.mulf %get3A_4, %get3A_97 : vector<16xf32>
      %mul3A_105 = arith.mulf %get3A_9, %get3A_94 : vector<16xf32>
      %add3A_106 = arith.addf %mul3A_104, %mul3A_105 : vector<16xf32>
      %swap3A_107 = arith.index_cast %add3A_91 : i32 to index
      %swap3A_108 = tpu.vector_load %arg6[%swap3A_107] {strides = array<i32>} : memref<32768xf32, #tpu.memory_space<vmem>>, vector<16xf32>,
      %swap3A_109 = vector.shape_cast %swap3A_108 : vector<16xf32> to vector<16xf32>
      %swap3A_110 = vector.shape_cast %add3A_106 : vector<16xf32> to vector<16xf32>
      tpu.vector_store %arg6[%swap3A_107], %swap3A_110 {strides = array<i32>} : memref<32768xf32, #tpu.memory_space<vmem>>, vector<16xf32>,
      %add3A_111 = arith.constant 16 : i32
      %add3A_112 = arith.addi %mul3A_89, %add3A_111 : i32
      %get3A_113 = arith.index_cast %add3A_112 : i32 to index
      %get3A_114 = tpu.vector_load %arg5[%get3A_113] {strides = array<i32>} : memref<32768xf32, #tpu.memory_space<vmem>>, vector<16xf32>,
      %get3A_115 = vector.shape_cast %get3A_114 : vector<16xf32> to vector<16xf32>
      %get3A_116 = arith.index_cast %add3A_112 : i32 to index
      %get3A_117 = tpu.vector_load %arg6[%get3A_116] {strides = array<i32>} : memref<32768xf32, #tpu.memory_space<vmem>>, vector<16xf32>,
      %get3A_118 = vector.shape_cast %get3A_117 : vector<16xf32> to vector<16xf32>
      %mul3A_119 = arith.mulf %get3A_4, %get3A_115 : vector<16xf32>
      %mul3A_120 = arith.mulf %get3A_9, %get3A_118 : vector<16xf32>
      %add3A_121 = arith.addf %mul3A_119, %mul3A_120 : vector<16xf32>
      %swap3A_122 = arith.index_cast %add3A_112 : i32 to index
      %swap3A_123 = tpu.vector_load %arg5[%swap3A_122] {strides = array<i32>} : memref<32768xf32, #tpu.memory_space<vmem>>, vector<16xf32>,
      %swap3A_124 = vector.shape_cast %swap3A_123 : vector<16xf32> to vector<16xf32>
      %swap3A_125 = vector.shape_cast %add3A_121 : vector<16xf32> to vector<16xf32>
      tpu.vector_store %arg5[%swap3A_122], %swap3A_125 {strides = array<i32>} : memref<32768xf32, #tpu.memory_space<vmem>>, vector<16xf32>,
      %mul3A_126 = arith.mulf %get3A_4, %get3A_118 : vector<16xf32>
      %mul3A_127 = arith.mulf %get3A_9, %get3A_115 : vector<16xf32>
      %add3A_128 = arith.addf %mul3A_126, %mul3A_127 : vector<16xf32>
      %swap3A_129 = arith.index_cast %add3A_112 : i32 to index
      %swap3A_130 = tpu.vector_load %arg6[%swap3A_129] {strides = array<i32>} : memref<32768xf32, #tpu.memory_space<vmem>>, vector<16xf32>,
      %swap3A_131 = vector.shape_cast %swap3A_130 : vector<16xf32> to vector<16xf32>
      %swap3A_132 = vector.shape_cast %add3A_128 : vector<16xf32> to vector<16xf32>
      tpu.vector_store %arg6[%swap3A_129], %swap3A_132 {strides = array<i32>} : memref<32768xf32, #tpu.memory_space<vmem>>, vector<16xf32>,
      %add3A_133 = arith.constant 32 : i32
      %add3A_134 = arith.addi %mul3A_89, %add3A_133 : i32
      %get3A_135 = arith.index_cast %add3A_134 : i32 to index
      %get3A_136 = tpu.vector_load %arg5[%get3A_135] {strides = array<i32>} : memref<32768xf32, #tpu.memory_space<vmem>>, vector<16xf32>,
      %get3A_137 = vector.shape_cast %get3A_136 : vector<16xf32> to vector<16xf32>
      %get3A_138 = arith.index_cast %add3A_134 : i32 to index
      %get3A_139 = tpu.vector_load %arg6[%get3A_138] {strides = array<i32>} : memref<32768xf32, #tpu.memory_space<vmem>>, vector<16xf32>,
      %get3A_140 = vector.shape_cast %get3A_139 : vector<16xf32> to vector<16xf32>
      %mul3A_141 = arith.mulf %get3A_4, %get3A_137 : vector<16xf32>
      %mul3A_142 = arith.mulf %get3A_9, %get3A_140 : vector<16xf32>
      %add3A_143 = arith.addf %mul3A_141, %mul3A_142 : vector<16xf32>
      %swap3A_144 = arith.index_cast %add3A_134 : i32 to index
      %swap3A_145 = tpu.vector_load %arg5[%swap3A_144] {strides = array<i32>} : memref<32768xf32, #tpu.memory_space<vmem>>, vector<16xf32>,
      %swap3A_146 = vector.shape_cast %swap3A_145 : vector<16xf32> to vector<16xf32>
      %swap3A_147 = vector.shape_cast %add3A_143 : vector<16xf32> to vector<16xf32>
      tpu.vector_store %arg5[%swap3A_144], %swap3A_147 {strides = array<i32>} : memref<32768xf32, #tpu.memory_space<vmem>>, vector<16xf32>,
      %mul3A_148 = arith.mulf %get3A_4, %get3A_140 : vector<16xf32>
      %mul3A_149 = arith.mulf %get3A_9, %get3A_137 : vector<16xf32>
      %add3A_150 = arith.addf %mul3A_148, %mul3A_149 : vector<16xf32>
      %swap3A_151 = arith.index_cast %add3A_134 : i32 to index
      %swap3A_152 = tpu.vector_load %arg6[%swap3A_151] {strides = array<i32>} : memref<32768xf32, #tpu.memory_space<vmem>>, vector<16xf32>,
      %swap3A_153 = vector.shape_cast %swap3A_152 : vector<16xf32> to vector<16xf32>
      %swap3A_154 = vector.shape_cast %add3A_150 : vector<16xf32> to vector<16xf32>
      tpu.vector_store %arg6[%swap3A_151], %swap3A_154 {strides = array<i32>} : memref<32768xf32, #tpu.memory_space<vmem>>, vector<16xf32>,
      %add3A_155 = arith.constant 48 : i32
      %add3A_156 = arith.addi %mul3A_89, %add3A_155 : i32
      %get3A_157 = arith.index_cast %add3A_156 : i32 to index
      %get3A_158 = tpu.vector_load %arg5[%get3A_157] {strides = array<i32>} : memref<32768xf32, #tpu.memory_space<vmem>>, vector<16xf32>,
      %get3A_159 = vector.shape_cast %get3A_158 : vector<16xf32> to vector<16xf32>
      %get3A_160 = arith.index_cast %add3A_156 : i32 to index
      %get3A_161 = tpu.vector_load %arg6[%get3A_160] {strides = array<i32>} : memref<32768xf32, #tpu.memory_space<vmem>>, vector<16xf32>,
      %get3A_162 = vector.shape_cast %get3A_161 : vector<16xf32> to vector<16xf32>
      %mul3A_163 = arith.mulf %get3A_4, %get3A_159 : vector<16xf32>
      %mul3A_164 = arith.mulf %get3A_9, %get3A_162 : vector<16xf32>
      %add3A_165 = arith.addf %mul3A_163, %mul3A_164 : vector<16xf32>
      %swap3A_166 = arith.index_cast %add3A_156 : i32 to index
      %swap3A_167 = tpu.vector_load %arg5[%swap3A_166] {strides = array<i32>} : memref<32768xf32, #tpu.memory_space<vmem>>, vector<16xf32>,
      %swap3A_168 = vector.shape_cast %swap3A_167 : vector<16xf32> to vector<16xf32>
      %swap3A_169 = vector.shape_cast %add3A_165 : vector<16xf32> to vector<16xf32>
      tpu.vector_store %arg5[%swap3A_166], %swap3A_169 {strides = array<i32>} : memref<32768xf32, #tpu.memory_space<vmem>>, vector<16xf32>,
      %mul3A_170 = arith.mulf %get3A_4, %get3A_162 : vector<16xf32>
      %mul3A_171 = arith.mulf %get3A_9, %get3A_159 : vector<16xf32>
      %add3A_172 = arith.addf %mul3A_170, %mul3A_171 : vector<16xf32>
      %swap3A_173 = arith.index_cast %add3A_156 : i32 to index
      %swap3A_174 = tpu.vector_load %arg6[%swap3A_173] {strides = array<i32>} : memref<32768xf32, #tpu.memory_space<vmem>>, vector<16xf32>,
      %swap3A_175 = vector.shape_cast %swap3A_174 : vector<16xf32> to vector<16xf32>
      %swap3A_176 = vector.shape_cast %add3A_172 : vector<16xf32> to vector<16xf32>
      tpu.vector_store %arg6[%swap3A_173], %swap3A_176 {strides = array<i32>} : memref<32768xf32, #tpu.memory_space<vmem>>, vector<16xf32>,
      %add3A_177 = arith.constant 64 : i32
      %add3A_178 = arith.addi %mul3A_89, %add3A_177 : i32
      %get3A_179 = arith.index_cast %add3A_178 : i32 to index
      %get3A_180 = tpu.vector_load %arg5[%get3A_179] {strides = array<i32>} : memref<32768xf32, #tpu.memory_space<vmem>>, vector<16xf32>,
      %get3A_181 = vector.shape_cast %get3A_180 : vector<16xf32> to vector<16xf32>
      %get3A_182 = arith.index_cast %add3A_178 : i32 to index
      %get3A_183 = tpu.vector_load %arg6[%get3A_182] {strides = array<i32>} : memref<32768xf32, #tpu.memory_space<vmem>>, vector<16xf32>,
      %get3A_184 = vector.shape_cast %get3A_183 : vector<16xf32> to vector<16xf32>
      %mul3A_185 = arith.mulf %get3A_4, %get3A_181 : vector<16xf32>
      %mul3A_186 = arith.mulf %get3A_9, %get3A_184 : vector<16xf32>
      %add3A_187 = arith.addf %mul3A_185, %mul3A_186 : vector<16xf32>
      %swap3A_188 = arith.index_cast %add3A_178 : i32 to index
      %swap3A_189 = tpu.vector_load %arg5[%swap3A_188] {strides = array<i32>} : memref<32768xf32, #tpu.memory_space<vmem>>, vector<16xf32>,
      %swap3A_190 = vector.shape_cast %swap3A_189 : vector<16xf32> to vector<16xf32>
      %swap3A_191 = vector.shape_cast %add3A_187 : vector<16xf32> to vector<16xf32>
      tpu.vector_store %arg5[%swap3A_188], %swap3A_191 {strides = array<i32>} : memref<32768xf32, #tpu.memory_space<vmem>>, vector<16xf32>,
      %mul3A_192 = arith.mulf %get3A_4, %get3A_184 : vector<16xf32>
      %mul3A_193 = arith.mulf %get3A_9, %get3A_181 : vector<16xf32>
      %add3A_194 = arith.addf %mul3A_192, %mul3A_193 : vector<16xf32>
      %swap3A_195 = arith.index_cast %add3A_178 : i32 to index
      %swap3A_196 = tpu.vector_load %arg6[%swap3A_195] {strides = array<i32>} : memref<32768xf32, #tpu.memory_space<vmem>>, vector<16xf32>,
      %swap3A_197 = vector.shape_cast %swap3A_196 : vector<16xf32> to vector<16xf32>
      %swap3A_198 = vector.shape_cast %add3A_194 : vector<16xf32> to vector<16xf32>
      tpu.vector_store %arg6[%swap3A_195], %swap3A_198 {strides = array<i32>} : memref<32768xf32, #tpu.memory_space<vmem>>, vector<16xf32>,
      %add3A_199 = arith.constant 80 : i32
      %add3A_200 = arith.addi %mul3A_89, %add3A_199 : i32
      %get3A_201 = arith.index_cast %add3A_200 : i32 to index
      %get3A_202 = tpu.vector_load %arg5[%get3A_201] {strides = array<i32>} : memref<32768xf32, #tpu.memory_space<vmem>>, vector<16xf32>,
      %get3A_203 = vector.shape_cast %get3A_202 : vector<16xf32> to vector<16xf32>
      %get3A_204 = arith.index_cast %add3A_200 : i32 to index
      %get3A_205 = tpu.vector_load %arg6[%get3A_204] {strides = array<i32>} : memref<32768xf32, #tpu.memory_space<vmem>>, vector<16xf32>,
      %get3A_206 = vector.shape_cast %get3A_205 : vector<16xf32> to vector<16xf32>
      %mul3A_207 = arith.mulf %get3A_4, %get3A_203 : vector<16xf32>
      %mul3A_208 = arith.mulf %get3A_9, %get3A_206 : vector<16xf32>
      %add3A_209 = arith.addf %mul3A_207, %mul3A_208 : vector<16xf32>
      %swap3A_210 = arith.index_cast %add3A_200 : i32 to index
      %swap3A_211 = tpu.vector_load %arg5[%swap3A_210] {strides = array<i32>} : memref<32768xf32, #tpu.memory_space<vmem>>, vector<16xf32>,
      %swap3A_212 = vector.shape_cast %swap3A_211 : vector<16xf32> to vector<16xf32>
      %swap3A_213 = vector.shape_cast %add3A_209 : vector<16xf32> to vector<16xf32>
      tpu.vector_store %arg5[%swap3A_210], %swap3A_213 {strides = array<i32>} : memref<32768xf32, #tpu.memory_space<vmem>>, vector<16xf32>,
      %mul3A_214 = arith.mulf %get3A_4, %get3A_206 : vector<16xf32>
      %mul3A_215 = arith.mulf %get3A_9, %get3A_203 : vector<16xf32>
      %add3A_216 = arith.addf %mul3A_214, %mul3A_215 : vector<16xf32>
      %swap3A_217 = arith.index_cast %add3A_200 : i32 to index
      %swap3A_218 = tpu.vector_load %arg6[%swap3A_217] {strides = array<i32>} : memref<32768xf32, #tpu.memory_space<vmem>>, vector<16xf32>,
      %swap3A_219 = vector.shape_cast %swap3A_218 : vector<16xf32> to vector<16xf32>
      %swap3A_220 = vector.shape_cast %add3A_216 : vector<16xf32> to vector<16xf32>
      tpu.vector_store %arg6[%swap3A_217], %swap3A_220 {strides = array<i32>} : memref<32768xf32, #tpu.memory_space<vmem>>, vector<16xf32>,
      %add3A_221 = arith.constant 96 : i32
      %add3A_222 = arith.addi %mul3A_89, %add3A_221 : i32
      %get3A_223 = arith.index_cast %add3A_222 : i32 to index
      %get3A_224 = tpu.vector_load %arg5[%get3A_223] {strides = array<i32>} : memref<32768xf32, #tpu.memory_space<vmem>>, vector<16xf32>,
      %get3A_225 = vector.shape_cast %get3A_224 : vector<16xf32> to vector<16xf32>
      %get3A_226 = arith.index_cast %add3A_222 : i32 to index
      %get3A_227 = tpu.vector_load %arg6[%get3A_226] {strides = array<i32>} : memref<32768xf32, #tpu.memory_space<vmem>>, vector<16xf32>,
      %get3A_228 = vector.shape_cast %get3A_227 : vector<16xf32> to vector<16xf32>
      %mul3A_229 = arith.mulf %get3A_4, %get3A_225 : vector<16xf32>
      %mul3A_230 = arith.mulf %get3A_9, %get3A_228 : vector<16xf32>
      %add3A_231 = arith.addf %mul3A_229, %mul3A_230 : vector<16xf32>
      %swap3A_232 = arith.index_cast %add3A_222 : i32 to index
      %swap3A_233 = tpu.vector_load %arg5[%swap3A_232] {strides = array<i32>} : memref<32768xf32, #tpu.memory_space<vmem>>, vector<16xf32>,
      %swap3A_234 = vector.shape_cast %swap3A_233 : vector<16xf32> to vector<16xf32>
      %swap3A_235 = vector.shape_cast %add3A_231 : vector<16xf32> to vector<16xf32>
      tpu.vector_store %arg5[%swap3A_232], %swap3A_235 {strides = array<i32>} : memref<32768xf32, #tpu.memory_space<vmem>>, vector<16xf32>,
      %mul3A_236 = arith.mulf %get3A_4, %get3A_228 : vector<16xf32>
      %mul3A_237 = arith.mulf %get3A_9, %get3A_225 : vector<16xf32>
      %add3A_238 = arith.addf %mul3A_236, %mul3A_237 : vector<16xf32>
      %swap3A_239 = arith.index_cast %add3A_222 : i32 to index
      %swap3A_240 = tpu.vector_load %arg6[%swap3A_239] {strides = array<i32>} : memref<32768xf32, #tpu.memory_space<vmem>>, vector<16xf32>,
      %swap3A_241 = vector.shape_cast %swap3A_240 : vector<16xf32> to vector<16xf32>
      %swap3A_242 = vector.shape_cast %add3A_238 : vector<16xf32> to vector<16xf32>
      tpu.vector_store %arg6[%swap3A_239], %swap3A_242 {strides = array<i32>} : memref<32768xf32, #tpu.memory_space<vmem>>, vector<16xf32>,
      %add3A_243 = arith.constant 112 : i32
      %add3A_244 = arith.addi %mul3A_89, %add3A_243 : i32
      %get3A_245 = arith.index_cast %add3A_244 : i32 to index
      %get3A_246 = tpu.vector_load %arg5[%get3A_245] {strides = array<i32>} : memref<32768xf32, #tpu.memory_space<vmem>>, vector<16xf32>,
      %get3A_247 = vector.shape_cast %get3A_246 : vector<16xf32> to vector<16xf32>
      %get3A_248 = arith.index_cast %add3A_244 : i32 to index
      %get3A_249 = tpu.vector_load %arg6[%get3A_248] {strides = array<i32>} : memref<32768xf32, #tpu.memory_space<vmem>>, vector<16xf32>,
      %get3A_250 = vector.shape_cast %get3A_249 : vector<16xf32> to vector<16xf32>
      %mul3A_251 = arith.mulf %get3A_4, %get3A_247 : vector<16xf32>
      %mul3A_252 = arith.mulf %get3A_9, %get3A_250 : vector<16xf32>
      %add3A_253 = arith.addf %mul3A_251, %mul3A_252 : vector<16xf32>
      %swap3A_254 = arith.index_cast %add3A_244 : i32 to index
      %swap3A_255 = tpu.vector_load %arg5[%swap3A_254] {strides = array<i32>} : memref<32768xf32, #tpu.memory_space<vmem>>, vector<16xf32>,
      %swap3A_256 = vector.shape_cast %swap3A_255 : vector<16xf32> to vector<16xf32>
      %swap3A_257 = vector.shape_cast %add3A_253 : vector<16xf32> to vector<16xf32>
      tpu.vector_store %arg5[%swap3A_254], %swap3A_257 {strides = array<i32>} : memref<32768xf32, #tpu.memory_space<vmem>>, vector<16xf32>,
      %mul3A_258 = arith.mulf %get3A_4, %get3A_250 : vector<16xf32>
      %mul3A_259 = arith.mulf %get3A_9, %get3A_247 : vector<16xf32>
      %add3A_260 = arith.addf %mul3A_258, %mul3A_259 : vector<16xf32>
      %swap3A_261 = arith.index_cast %add3A_244 : i32 to index
      %swap3A_262 = tpu.vector_load %arg6[%swap3A_261] {strides = array<i32>} : memref<32768xf32, #tpu.memory_space<vmem>>, vector<16xf32>,
      %swap3A_263 = vector.shape_cast %swap3A_262 : vector<16xf32> to vector<16xf32>
      %swap3A_264 = vector.shape_cast %add3A_260 : vector<16xf32> to vector<16xf32>
      tpu.vector_store %arg6[%swap3A_261], %swap3A_264 {strides = array<i32>} : memref<32768xf32, #tpu.memory_space<vmem>>, vector<16xf32>,
    }
    %scan3A_54 = arith.constant 256 : i32
    %add3A_55 = arith.constant 32768 : i32
    %add3A_56 = arith.addi %mul3A_25, %add3A_55 : i32
    "tpu.region"() ({
      %run_scoped3A = tpu.sem_alloc : memref<!tpu.dma_semaphore, #tpu.memory_space<semaphore_mem>>
      %dma_start3A = tpu.memref_slice %arg4[%add3A_56] : memref<8388608xf32, #tpu.memory_space<hbm>> -> memref<32768xf32, #tpu.memory_space<hbm>>
      %dma_start3A_87 = tpu.memref_slice %arg4[%add3A_56] : memref<8388608xf32, #tpu.memory_space<hbm>> -> memref<32768xf32, #tpu.memory_space<hbm>>
      tpu.enqueue_dma source(%arg5 : memref<32768xf32, #tpu.memory_space<vmem>>) target(%dma_start3A_87 : memref<32768xf32, #tpu.memory_space<hbm>>) target_semaphore(%run_scoped3A : memref<!tpu.dma_semaphore, #tpu.memory_space<semaphore_mem>>)
      %dma_wait3A = tpu.memref_slice %arg4[%add3A_56] : memref<8388608xf32, #tpu.memory_space<hbm>> -> memref<32768xf32, #tpu.memory_space<hbm>>
      %dma_wait3A_88 = tpu.memref_slice %arg4[%add3A_56] : memref<8388608xf32, #tpu.memory_space<hbm>> -> memref<32768xf32, #tpu.memory_space<hbm>>
      tpu.wait_dma2 semaphore(%run_scoped3A : memref<!tpu.dma_semaphore, #tpu.memory_space<semaphore_mem>>) src(%arg5 : memref<32768xf32, #tpu.memory_space<vmem>>) dst(%dma_wait3A_88 : memref<32768xf32, #tpu.memory_space<hbm>>)
      tpu.yield
    }) : () -> ()
    %add3A_57 = arith.constant 32768 : i32
    %add3A_58 = arith.addi %mul3A_31, %add3A_57 : i32
    "tpu.region"() ({
      %run_scoped3A = tpu.sem_alloc : memref<!tpu.dma_semaphore, #tpu.memory_space<semaphore_mem>>
      %dma_start3A = tpu.memref_slice %arg4[%add3A_58] : memref<8388608xf32, #tpu.memory_space<hbm>> -> memref<32768xf32, #tpu.memory_space<hbm>>
      %dma_start3A_87 = tpu.memref_slice %arg4[%add3A_58] : memref<8388608xf32, #tpu.memory_space<hbm>> -> memref<32768xf32, #tpu.memory_space<hbm>>
      tpu.enqueue_dma source(%arg6 : memref<32768xf32, #tpu.memory_space<vmem>>) target(%dma_start3A_87 : memref<32768xf32, #tpu.memory_space<hbm>>) target_semaphore(%run_scoped3A : memref<!tpu.dma_semaphore, #tpu.memory_space<semaphore_mem>>)
      %dma_wait3A = tpu.memref_slice %arg4[%add3A_58] : memref<8388608xf32, #tpu.memory_space<hbm>> -> memref<32768xf32, #tpu.memory_space<hbm>>
      %dma_wait3A_88 = tpu.memref_slice %arg4[%add3A_58] : memref<8388608xf32, #tpu.memory_space<hbm>> -> memref<32768xf32, #tpu.memory_space<hbm>>
      tpu.wait_dma2 semaphore(%run_scoped3A : memref<!tpu.dma_semaphore, #tpu.memory_space<semaphore_mem>>) src(%arg6 : memref<32768xf32, #tpu.memory_space<vmem>>) dst(%dma_wait3A_88 : memref<32768xf32, #tpu.memory_space<hbm>>)
      tpu.yield
    }) : () -> ()
    %add3A_59 = arith.constant 65536 : i32
    %add3A_60 = arith.addi %mul3A_15, %add3A_59 : i32
    "tpu.region"() ({
      %run_scoped3A = tpu.sem_alloc : memref<!tpu.dma_semaphore, #tpu.memory_space<semaphore_mem>>
      %dma_start3A = tpu.memref_slice %arg2[%add3A_60] : memref<16777216xf32, #tpu.memory_space<hbm>> -> memref<32768xf32, #tpu.memory_space<hbm>>
      %dma_start3A_87 = tpu.memref_slice %arg2[%add3A_60] : memref<16777216xf32, #tpu.memory_space<hbm>> -> memref<32768xf32, #tpu.memory_space<hbm>>
      tpu.enqueue_dma source(%dma_start3A_87 : memref<32768xf32, #tpu.memory_space<hbm>>) target(%arg5 : memref<32768xf32, #tpu.memory_space<vmem>>) target_semaphore(%run_scoped3A : memref<!tpu.dma_semaphore, #tpu.memory_space<semaphore_mem>>)
      %dma_wait3A = tpu.memref_slice %arg2[%add3A_60] : memref<16777216xf32, #tpu.memory_space<hbm>> -> memref<32768xf32, #tpu.memory_space<hbm>>
      %dma_wait3A_88 = tpu.memref_slice %arg2[%add3A_60] : memref<16777216xf32, #tpu.memory_space<hbm>> -> memref<32768xf32, #tpu.memory_space<hbm>>
      tpu.wait_dma2 semaphore(%run_scoped3A : memref<!tpu.dma_semaphore, #tpu.memory_space<semaphore_mem>>) src(%dma_wait3A_88 : memref<32768xf32, #tpu.memory_space<hbm>>) dst(%arg5 : memref<32768xf32, #tpu.memory_space<vmem>>)
      tpu.yield
    }) : () -> ()
    %add3A_61 = arith.constant 65536 : i32
    %add3A_62 = arith.addi %mul3A_21, %add3A_61 : i32
    "tpu.region"() ({
      %run_scoped3A = tpu.sem_alloc : memref<!tpu.dma_semaphore, #tpu.memory_space<semaphore_mem>>
      %dma_start3A = tpu.memref_slice %arg2[%add3A_62] : memref<16777216xf32, #tpu.memory_space<hbm>> -> memref<32768xf32, #tpu.memory_space<hbm>>
      %dma_start3A_87 = tpu.memref_slice %arg2[%add3A_62] : memref<16777216xf32, #tpu.memory_space<hbm>> -> memref<32768xf32, #tpu.memory_space<hbm>>
      tpu.enqueue_dma source(%dma_start3A_87 : memref<32768xf32, #tpu.memory_space<hbm>>) target(%arg6 : memref<32768xf32, #tpu.memory_space<vmem>>) target_semaphore(%run_scoped3A : memref<!tpu.dma_semaphore, #tpu.memory_space<semaphore_mem>>)
      %dma_wait3A = tpu.memref_slice %arg2[%add3A_62] : memref<16777216xf32, #tpu.memory_space<hbm>> -> memref<32768xf32, #tpu.memory_space<hbm>>
      %dma_wait3A_88 = tpu.memref_slice %arg2[%add3A_62] : memref<16777216xf32, #tpu.memory_space<hbm>> -> memref<32768xf32, #tpu.memory_space<hbm>>
      tpu.wait_dma2 semaphore(%run_scoped3A : memref<!tpu.dma_semaphore, #tpu.memory_space<semaphore_mem>>) src(%dma_wait3A_88 : memref<32768xf32, #tpu.memory_space<hbm>>) dst(%arg6 : memref<32768xf32, #tpu.memory_space<vmem>>)
      tpu.yield
    }) : () -> ()
    %scan3A_63 = arith.constant 0 : i32
    %scan3A_64 = arith.constant 0 : i32
    %scan3A_65 = arith.constant 256 : i32
    %scan3A_66 = arith.addi %scan3A_64, %scan3A_65 : i32
    %scan3A_67 = arith.constant 1 : i32
    scf.for %scan3A_87 = %scan3A_64 to %scan3A_66 step %scan3A_67  : i32 {
      %mul3A_88 = arith.constant 128 : i32
      %mul3A_89 = arith.muli %scan3A_87, %mul3A_88 : i32
      %add3A_90 = arith.constant 0 : i32
      %add3A_91 = arith.addi %mul3A_89, %add3A_90 : i32
      %get3A_92 = arith.index_cast %add3A_91 : i32 to index
      %get3A_93 = tpu.vector_load %arg5[%get3A_92] {strides = array<i32>} : memref<32768xf32, #tpu.memory_space<vmem>>, vector<16xf32>,
      %get3A_94 = vector.shape_cast %get3A_93 : vector<16xf32> to vector<16xf32>
      %get3A_95 = arith.index_cast %add3A_91 : i32 to index
      %get3A_96 = tpu.vector_load %arg6[%get3A_95] {strides = array<i32>} : memref<32768xf32, #tpu.memory_space<vmem>>, vector<16xf32>,
      %get3A_97 = vector.shape_cast %get3A_96 : vector<16xf32> to vector<16xf32>
      %mul3A_98 = arith.mulf %get3A_4, %get3A_94 : vector<16xf32>
      %mul3A_99 = arith.mulf %get3A_9, %get3A_97 : vector<16xf32>
      %add3A_100 = arith.addf %mul3A_98, %mul3A_99 : vector<16xf32>
      %swap3A = arith.index_cast %add3A_91 : i32 to index
      %swap3A_101 = tpu.vector_load %arg5[%swap3A] {strides = array<i32>} : memref<32768xf32, #tpu.memory_space<vmem>>, vector<16xf32>,
      %swap3A_102 = vector.shape_cast %swap3A_101 : vector<16xf32> to vector<16xf32>
      %swap3A_103 = vector.shape_cast %add3A_100 : vector<16xf32> to vector<16xf32>
      tpu.vector_store %arg5[%swap3A], %swap3A_103 {strides = array<i32>} : memref<32768xf32, #tpu.memory_space<vmem>>, vector<16xf32>,
      %mul3A_104 = arith.mulf %get3A_4, %get3A_97 : vector<16xf32>
      %mul3A_105 = arith.mulf %get3A_9, %get3A_94 : vector<16xf32>
      %add3A_106 = arith.addf %mul3A_104, %mul3A_105 : vector<16xf32>
      %swap3A_107 = arith.index_cast %add3A_91 : i32 to index
      %swap3A_108 = tpu.vector_load %arg6[%swap3A_107] {strides = array<i32>} : memref<32768xf32, #tpu.memory_space<vmem>>, vector<16xf32>,
      %swap3A_109 = vector.shape_cast %swap3A_108 : vector<16xf32> to vector<16xf32>
      %swap3A_110 = vector.shape_cast %add3A_106 : vector<16xf32> to vector<16xf32>
      tpu.vector_store %arg6[%swap3A_107], %swap3A_110 {strides = array<i32>} : memref<32768xf32, #tpu.memory_space<vmem>>, vector<16xf32>,
      %add3A_111 = arith.constant 16 : i32
      %add3A_112 = arith.addi %mul3A_89, %add3A_111 : i32
      %get3A_113 = arith.index_cast %add3A_112 : i32 to index
      %get3A_114 = tpu.vector_load %arg5[%get3A_113] {strides = array<i32>} : memref<32768xf32, #tpu.memory_space<vmem>>, vector<16xf32>,
      %get3A_115 = vector.shape_cast %get3A_114 : vector<16xf32> to vector<16xf32>
      %get3A_116 = arith.index_cast %add3A_112 : i32 to index
      %get3A_117 = tpu.vector_load %arg6[%get3A_116] {strides = array<i32>} : memref<32768xf32, #tpu.memory_space<vmem>>, vector<16xf32>,
      %get3A_118 = vector.shape_cast %get3A_117 : vector<16xf32> to vector<16xf32>
      %mul3A_119 = arith.mulf %get3A_4, %get3A_115 : vector<16xf32>
      %mul3A_120 = arith.mulf %get3A_9, %get3A_118 : vector<16xf32>
      %add3A_121 = arith.addf %mul3A_119, %mul3A_120 : vector<16xf32>
      %swap3A_122 = arith.index_cast %add3A_112 : i32 to index
      %swap3A_123 = tpu.vector_load %arg5[%swap3A_122] {strides = array<i32>} : memref<32768xf32, #tpu.memory_space<vmem>>, vector<16xf32>,
      %swap3A_124 = vector.shape_cast %swap3A_123 : vector<16xf32> to vector<16xf32>
      %swap3A_125 = vector.shape_cast %add3A_121 : vector<16xf32> to vector<16xf32>
      tpu.vector_store %arg5[%swap3A_122], %swap3A_125 {strides = array<i32>} : memref<32768xf32, #tpu.memory_space<vmem>>, vector<16xf32>,
      %mul3A_126 = arith.mulf %get3A_4, %get3A_118 : vector<16xf32>
      %mul3A_127 = arith.mulf %get3A_9, %get3A_115 : vector<16xf32>
      %add3A_128 = arith.addf %mul3A_126, %mul3A_127 : vector<16xf32>
      %swap3A_129 = arith.index_cast %add3A_112 : i32 to index
      %swap3A_130 = tpu.vector_load %arg6[%swap3A_129] {strides = array<i32>} : memref<32768xf32, #tpu.memory_space<vmem>>, vector<16xf32>,
      %swap3A_131 = vector.shape_cast %swap3A_130 : vector<16xf32> to vector<16xf32>
      %swap3A_132 = vector.shape_cast %add3A_128 : vector<16xf32> to vector<16xf32>
      tpu.vector_store %arg6[%swap3A_129], %swap3A_132 {strides = array<i32>} : memref<32768xf32, #tpu.memory_space<vmem>>, vector<16xf32>,
      %add3A_133 = arith.constant 32 : i32
      %add3A_134 = arith.addi %mul3A_89, %add3A_133 : i32
      %get3A_135 = arith.index_cast %add3A_134 : i32 to index
      %get3A_136 = tpu.vector_load %arg5[%get3A_135] {strides = array<i32>} : memref<32768xf32, #tpu.memory_space<vmem>>, vector<16xf32>,
      %get3A_137 = vector.shape_cast %get3A_136 : vector<16xf32> to vector<16xf32>
      %get3A_138 = arith.index_cast %add3A_134 : i32 to index
      %get3A_139 = tpu.vector_load %arg6[%get3A_138] {strides = array<i32>} : memref<32768xf32, #tpu.memory_space<vmem>>, vector<16xf32>,
      %get3A_140 = vector.shape_cast %get3A_139 : vector<16xf32> to vector<16xf32>
      %mul3A_141 = arith.mulf %get3A_4, %get3A_137 : vector<16xf32>
      %mul3A_142 = arith.mulf %get3A_9, %get3A_140 : vector<16xf32>
      %add3A_143 = arith.addf %mul3A_141, %mul3A_142 : vector<16xf32>
      %swap3A_144 = arith.index_cast %add3A_134 : i32 to index
      %swap3A_145 = tpu.vector_load %arg5[%swap3A_144] {strides = array<i32>} : memref<32768xf32, #tpu.memory_space<vmem>>, vector<16xf32>,
      %swap3A_146 = vector.shape_cast %swap3A_145 : vector<16xf32> to vector<16xf32>
      %swap3A_147 = vector.shape_cast %add3A_143 : vector<16xf32> to vector<16xf32>
      tpu.vector_store %arg5[%swap3A_144], %swap3A_147 {strides = array<i32>} : memref<32768xf32, #tpu.memory_space<vmem>>, vector<16xf32>,
      %mul3A_148 = arith.mulf %get3A_4, %get3A_140 : vector<16xf32>
      %mul3A_149 = arith.mulf %get3A_9, %get3A_137 : vector<16xf32>
      %add3A_150 = arith.addf %mul3A_148, %mul3A_149 : vector<16xf32>
      %swap3A_151 = arith.index_cast %add3A_134 : i32 to index
      %swap3A_152 = tpu.vector_load %arg6[%swap3A_151] {strides = array<i32>} : memref<32768xf32, #tpu.memory_space<vmem>>, vector<16xf32>,
      %swap3A_153 = vector.shape_cast %swap3A_152 : vector<16xf32> to vector<16xf32>
      %swap3A_154 = vector.shape_cast %add3A_150 : vector<16xf32> to vector<16xf32>
      tpu.vector_store %arg6[%swap3A_151], %swap3A_154 {strides = array<i32>} : memref<32768xf32, #tpu.memory_space<vmem>>, vector<16xf32>,
      %add3A_155 = arith.constant 48 : i32
      %add3A_156 = arith.addi %mul3A_89, %add3A_155 : i32
      %get3A_157 = arith.index_cast %add3A_156 : i32 to index
      %get3A_158 = tpu.vector_load %arg5[%get3A_157] {strides = array<i32>} : memref<32768xf32, #tpu.memory_space<vmem>>, vector<16xf32>,
      %get3A_159 = vector.shape_cast %get3A_158 : vector<16xf32> to vector<16xf32>
      %get3A_160 = arith.index_cast %add3A_156 : i32 to index
      %get3A_161 = tpu.vector_load %arg6[%get3A_160] {strides = array<i32>} : memref<32768xf32, #tpu.memory_space<vmem>>, vector<16xf32>,
      %get3A_162 = vector.shape_cast %get3A_161 : vector<16xf32> to vector<16xf32>
      %mul3A_163 = arith.mulf %get3A_4, %get3A_159 : vector<16xf32>
      %mul3A_164 = arith.mulf %get3A_9, %get3A_162 : vector<16xf32>
      %add3A_165 = arith.addf %mul3A_163, %mul3A_164 : vector<16xf32>
      %swap3A_166 = arith.index_cast %add3A_156 : i32 to index
      %swap3A_167 = tpu.vector_load %arg5[%swap3A_166] {strides = array<i32>} : memref<32768xf32, #tpu.memory_space<vmem>>, vector<16xf32>,
      %swap3A_168 = vector.shape_cast %swap3A_167 : vector<16xf32> to vector<16xf32>
      %swap3A_169 = vector.shape_cast %add3A_165 : vector<16xf32> to vector<16xf32>
      tpu.vector_store %arg5[%swap3A_166], %swap3A_169 {strides = array<i32>} : memref<32768xf32, #tpu.memory_space<vmem>>, vector<16xf32>,
      %mul3A_170 = arith.mulf %get3A_4, %get3A_162 : vector<16xf32>
      %mul3A_171 = arith.mulf %get3A_9, %get3A_159 : vector<16xf32>
      %add3A_172 = arith.addf %mul3A_170, %mul3A_171 : vector<16xf32>
      %swap3A_173 = arith.index_cast %add3A_156 : i32 to index
      %swap3A_174 = tpu.vector_load %arg6[%swap3A_173] {strides = array<i32>} : memref<32768xf32, #tpu.memory_space<vmem>>, vector<16xf32>,
      %swap3A_175 = vector.shape_cast %swap3A_174 : vector<16xf32> to vector<16xf32>
      %swap3A_176 = vector.shape_cast %add3A_172 : vector<16xf32> to vector<16xf32>
      tpu.vector_store %arg6[%swap3A_173], %swap3A_176 {strides = array<i32>} : memref<32768xf32, #tpu.memory_space<vmem>>, vector<16xf32>,
      %add3A_177 = arith.constant 64 : i32
      %add3A_178 = arith.addi %mul3A_89, %add3A_177 : i32
      %get3A_179 = arith.index_cast %add3A_178 : i32 to index
      %get3A_180 = tpu.vector_load %arg5[%get3A_179] {strides = array<i32>} : memref<32768xf32, #tpu.memory_space<vmem>>, vector<16xf32>,
      %get3A_181 = vector.shape_cast %get3A_180 : vector<16xf32> to vector<16xf32>
      %get3A_182 = arith.index_cast %add3A_178 : i32 to index
      %get3A_183 = tpu.vector_load %arg6[%get3A_182] {strides = array<i32>} : memref<32768xf32, #tpu.memory_space<vmem>>, vector<16xf32>,
      %get3A_184 = vector.shape_cast %get3A_183 : vector<16xf32> to vector<16xf32>
      %mul3A_185 = arith.mulf %get3A_4, %get3A_181 : vector<16xf32>
      %mul3A_186 = arith.mulf %get3A_9, %get3A_184 : vector<16xf32>
      %add3A_187 = arith.addf %mul3A_185, %mul3A_186 : vector<16xf32>
      %swap3A_188 = arith.index_cast %add3A_178 : i32 to index
      %swap3A_189 = tpu.vector_load %arg5[%swap3A_188] {strides = array<i32>} : memref<32768xf32, #tpu.memory_space<vmem>>, vector<16xf32>,
      %swap3A_190 = vector.shape_cast %swap3A_189 : vector<16xf32> to vector<16xf32>
      %swap3A_191 = vector.shape_cast %add3A_187 : vector<16xf32> to vector<16xf32>
      tpu.vector_store %arg5[%swap3A_188], %swap3A_191 {strides = array<i32>} : memref<32768xf32, #tpu.memory_space<vmem>>, vector<16xf32>,
      %mul3A_192 = arith.mulf %get3A_4, %get3A_184 : vector<16xf32>
      %mul3A_193 = arith.mulf %get3A_9, %get3A_181 : vector<16xf32>
      %add3A_194 = arith.addf %mul3A_192, %mul3A_193 : vector<16xf32>
      %swap3A_195 = arith.index_cast %add3A_178 : i32 to index
      %swap3A_196 = tpu.vector_load %arg6[%swap3A_195] {strides = array<i32>} : memref<32768xf32, #tpu.memory_space<vmem>>, vector<16xf32>,
      %swap3A_197 = vector.shape_cast %swap3A_196 : vector<16xf32> to vector<16xf32>
      %swap3A_198 = vector.shape_cast %add3A_194 : vector<16xf32> to vector<16xf32>
      tpu.vector_store %arg6[%swap3A_195], %swap3A_198 {strides = array<i32>} : memref<32768xf32, #tpu.memory_space<vmem>>, vector<16xf32>,
      %add3A_199 = arith.constant 80 : i32
      %add3A_200 = arith.addi %mul3A_89, %add3A_199 : i32
      %get3A_201 = arith.index_cast %add3A_200 : i32 to index
      %get3A_202 = tpu.vector_load %arg5[%get3A_201] {strides = array<i32>} : memref<32768xf32, #tpu.memory_space<vmem>>, vector<16xf32>,
      %get3A_203 = vector.shape_cast %get3A_202 : vector<16xf32> to vector<16xf32>
      %get3A_204 = arith.index_cast %add3A_200 : i32 to index
      %get3A_205 = tpu.vector_load %arg6[%get3A_204] {strides = array<i32>} : memref<32768xf32, #tpu.memory_space<vmem>>, vector<16xf32>,
      %get3A_206 = vector.shape_cast %get3A_205 : vector<16xf32> to vector<16xf32>
      %mul3A_207 = arith.mulf %get3A_4, %get3A_203 : vector<16xf32>
      %mul3A_208 = arith.mulf %get3A_9, %get3A_206 : vector<16xf32>
      %add3A_209 = arith.addf %mul3A_207, %mul3A_208 : vector<16xf32>
      %swap3A_210 = arith.index_cast %add3A_200 : i32 to index
      %swap3A_211 = tpu.vector_load %arg5[%swap3A_210] {strides = array<i32>} : memref<32768xf32, #tpu.memory_space<vmem>>, vector<16xf32>,
      %swap3A_212 = vector.shape_cast %swap3A_211 : vector<16xf32> to vector<16xf32>
      %swap3A_213 = vector.shape_cast %add3A_209 : vector<16xf32> to vector<16xf32>
      tpu.vector_store %arg5[%swap3A_210], %swap3A_213 {strides = array<i32>} : memref<32768xf32, #tpu.memory_space<vmem>>, vector<16xf32>,
      %mul3A_214 = arith.mulf %get3A_4, %get3A_206 : vector<16xf32>
      %mul3A_215 = arith.mulf %get3A_9, %get3A_203 : vector<16xf32>
      %add3A_216 = arith.addf %mul3A_214, %mul3A_215 : vector<16xf32>
      %swap3A_217 = arith.index_cast %add3A_200 : i32 to index
      %swap3A_218 = tpu.vector_load %arg6[%swap3A_217] {strides = array<i32>} : memref<32768xf32, #tpu.memory_space<vmem>>, vector<16xf32>,
      %swap3A_219 = vector.shape_cast %swap3A_218 : vector<16xf32> to vector<16xf32>
      %swap3A_220 = vector.shape_cast %add3A_216 : vector<16xf32> to vector<16xf32>
      tpu.vector_store %arg6[%swap3A_217], %swap3A_220 {strides = array<i32>} : memref<32768xf32, #tpu.memory_space<vmem>>, vector<16xf32>,
      %add3A_221 = arith.constant 96 : i32
      %add3A_222 = arith.addi %mul3A_89, %add3A_221 : i32
      %get3A_223 = arith.index_cast %add3A_222 : i32 to index
      %get3A_224 = tpu.vector_load %arg5[%get3A_223] {strides = array<i32>} : memref<32768xf32, #tpu.memory_space<vmem>>, vector<16xf32>,
      %get3A_225 = vector.shape_cast %get3A_224 : vector<16xf32> to vector<16xf32>
      %get3A_226 = arith.index_cast %add3A_222 : i32 to index
      %get3A_227 = tpu.vector_load %arg6[%get3A_226] {strides = array<i32>} : memref<32768xf32, #tpu.memory_space<vmem>>, vector<16xf32>,
      %get3A_228 = vector.shape_cast %get3A_227 : vector<16xf32> to vector<16xf32>
      %mul3A_229 = arith.mulf %get3A_4, %get3A_225 : vector<16xf32>
      %mul3A_230 = arith.mulf %get3A_9, %get3A_228 : vector<16xf32>
      %add3A_231 = arith.addf %mul3A_229, %mul3A_230 : vector<16xf32>
      %swap3A_232 = arith.index_cast %add3A_222 : i32 to index
      %swap3A_233 = tpu.vector_load %arg5[%swap3A_232] {strides = array<i32>} : memref<32768xf32, #tpu.memory_space<vmem>>, vector<16xf32>,
      %swap3A_234 = vector.shape_cast %swap3A_233 : vector<16xf32> to vector<16xf32>
      %swap3A_235 = vector.shape_cast %add3A_231 : vector<16xf32> to vector<16xf32>
      tpu.vector_store %arg5[%swap3A_232], %swap3A_235 {strides = array<i32>} : memref<32768xf32, #tpu.memory_space<vmem>>, vector<16xf32>,
      %mul3A_236 = arith.mulf %get3A_4, %get3A_228 : vector<16xf32>
      %mul3A_237 = arith.mulf %get3A_9, %get3A_225 : vector<16xf32>
      %add3A_238 = arith.addf %mul3A_236, %mul3A_237 : vector<16xf32>
      %swap3A_239 = arith.index_cast %add3A_222 : i32 to index
      %swap3A_240 = tpu.vector_load %arg6[%swap3A_239] {strides = array<i32>} : memref<32768xf32, #tpu.memory_space<vmem>>, vector<16xf32>,
      %swap3A_241 = vector.shape_cast %swap3A_240 : vector<16xf32> to vector<16xf32>
      %swap3A_242 = vector.shape_cast %add3A_238 : vector<16xf32> to vector<16xf32>
      tpu.vector_store %arg6[%swap3A_239], %swap3A_242 {strides = array<i32>} : memref<32768xf32, #tpu.memory_space<vmem>>, vector<16xf32>,
      %add3A_243 = arith.constant 112 : i32
      %add3A_244 = arith.addi %mul3A_89, %add3A_243 : i32
      %get3A_245 = arith.index_cast %add3A_244 : i32 to index
      %get3A_246 = tpu.vector_load %arg5[%get3A_245] {strides = array<i32>} : memref<32768xf32, #tpu.memory_space<vmem>>, vector<16xf32>,
      %get3A_247 = vector.shape_cast %get3A_246 : vector<16xf32> to vector<16xf32>
      %get3A_248 = arith.index_cast %add3A_244 : i32 to index
      %get3A_249 = tpu.vector_load %arg6[%get3A_248] {strides = array<i32>} : memref<32768xf32, #tpu.memory_space<vmem>>, vector<16xf32>,
      %get3A_250 = vector.shape_cast %get3A_249 : vector<16xf32> to vector<16xf32>
      %mul3A_251 = arith.mulf %get3A_4, %get3A_247 : vector<16xf32>
      %mul3A_252 = arith.mulf %get3A_9, %get3A_250 : vector<16xf32>
      %add3A_253 = arith.addf %mul3A_251, %mul3A_252 : vector<16xf32>
      %swap3A_254 = arith.index_cast %add3A_244 : i32 to index
      %swap3A_255 = tpu.vector_load %arg5[%swap3A_254] {strides = array<i32>} : memref<32768xf32, #tpu.memory_space<vmem>>, vector<16xf32>,
      %swap3A_256 = vector.shape_cast %swap3A_255 : vector<16xf32> to vector<16xf32>
      %swap3A_257 = vector.shape_cast %add3A_253 : vector<16xf32> to vector<16xf32>
      tpu.vector_store %arg5[%swap3A_254], %swap3A_257 {strides = array<i32>} : memref<32768xf32, #tpu.memory_space<vmem>>, vector<16xf32>,
      %mul3A_258 = arith.mulf %get3A_4, %get3A_250 : vector<16xf32>
      %mul3A_259 = arith.mulf %get3A_9, %get3A_247 : vector<16xf32>
      %add3A_260 = arith.addf %mul3A_258, %mul3A_259 : vector<16xf32>
      %swap3A_261 = arith.index_cast %add3A_244 : i32 to index
      %swap3A_262 = tpu.vector_load %arg6[%swap3A_261] {strides = array<i32>} : memref<32768xf32, #tpu.memory_space<vmem>>, vector<16xf32>,
      %swap3A_263 = vector.shape_cast %swap3A_262 : vector<16xf32> to vector<16xf32>
      %swap3A_264 = vector.shape_cast %add3A_260 : vector<16xf32> to vector<16xf32>
      tpu.vector_store %arg6[%swap3A_261], %swap3A_264 {strides = array<i32>} : memref<32768xf32, #tpu.memory_space<vmem>>, vector<16xf32>,
    }
    %scan3A_68 = arith.constant 256 : i32
    %add3A_69 = arith.constant 65536 : i32
    %add3A_70 = arith.addi %mul3A_25, %add3A_69 : i32
    "tpu.region"() ({
      %run_scoped3A = tpu.sem_alloc : memref<!tpu.dma_semaphore, #tpu.memory_space<semaphore_mem>>
      %dma_start3A = tpu.memref_slice %arg4[%add3A_70] : memref<8388608xf32, #tpu.memory_space<hbm>> -> memref<32768xf32, #tpu.memory_space<hbm>>
      %dma_start3A_87 = tpu.memref_slice %arg4[%add3A_70] : memref<8388608xf32, #tpu.memory_space<hbm>> -> memref<32768xf32, #tpu.memory_space<hbm>>
      tpu.enqueue_dma source(%arg5 : memref<32768xf32, #tpu.memory_space<vmem>>) target(%dma_start3A_87 : memref<32768xf32, #tpu.memory_space<hbm>>) target_semaphore(%run_scoped3A : memref<!tpu.dma_semaphore, #tpu.memory_space<semaphore_mem>>)
      %dma_wait3A = tpu.memref_slice %arg4[%add3A_70] : memref<8388608xf32, #tpu.memory_space<hbm>> -> memref<32768xf32, #tpu.memory_space<hbm>>
      %dma_wait3A_88 = tpu.memref_slice %arg4[%add3A_70] : memref<8388608xf32, #tpu.memory_space<hbm>> -> memref<32768xf32, #tpu.memory_space<hbm>>
      tpu.wait_dma2 semaphore(%run_scoped3A : memref<!tpu.dma_semaphore, #tpu.memory_space<semaphore_mem>>) src(%arg5 : memref<32768xf32, #tpu.memory_space<vmem>>) dst(%dma_wait3A_88 : memref<32768xf32, #tpu.memory_space<hbm>>)
      tpu.yield
    }) : () -> ()
    %add3A_71 = arith.constant 65536 : i32
    %add3A_72 = arith.addi %mul3A_31, %add3A_71 : i32
    "tpu.region"() ({
      %run_scoped3A = tpu.sem_alloc : memref<!tpu.dma_semaphore, #tpu.memory_space<semaphore_mem>>
      %dma_start3A = tpu.memref_slice %arg4[%add3A_72] : memref<8388608xf32, #tpu.memory_space<hbm>> -> memref<32768xf32, #tpu.memory_space<hbm>>
      %dma_start3A_87 = tpu.memref_slice %arg4[%add3A_72] : memref<8388608xf32, #tpu.memory_space<hbm>> -> memref<32768xf32, #tpu.memory_space<hbm>>
      tpu.enqueue_dma source(%arg6 : memref<32768xf32, #tpu.memory_space<vmem>>) target(%dma_start3A_87 : memref<32768xf32, #tpu.memory_space<hbm>>) target_semaphore(%run_scoped3A : memref<!tpu.dma_semaphore, #tpu.memory_space<semaphore_mem>>)
      %dma_wait3A = tpu.memref_slice %arg4[%add3A_72] : memref<8388608xf32, #tpu.memory_space<hbm>> -> memref<32768xf32, #tpu.memory_space<hbm>>
      %dma_wait3A_88 = tpu.memref_slice %arg4[%add3A_72] : memref<8388608xf32, #tpu.memory_space<hbm>> -> memref<32768xf32, #tpu.memory_space<hbm>>
      tpu.wait_dma2 semaphore(%run_scoped3A : memref<!tpu.dma_semaphore, #tpu.memory_space<semaphore_mem>>) src(%arg6 : memref<32768xf32, #tpu.memory_space<vmem>>) dst(%dma_wait3A_88 : memref<32768xf32, #tpu.memory_space<hbm>>)
      tpu.yield
    }) : () -> ()
    %add3A_73 = arith.constant 98304 : i32
    %add3A_74 = arith.addi %mul3A_15, %add3A_73 : i32
    "tpu.region"() ({
      %run_scoped3A = tpu.sem_alloc : memref<!tpu.dma_semaphore, #tpu.memory_space<semaphore_mem>>
      %dma_start3A = tpu.memref_slice %arg2[%add3A_74] : memref<16777216xf32, #tpu.memory_space<hbm>> -> memref<32768xf32, #tpu.memory_space<hbm>>
      %dma_start3A_87 = tpu.memref_slice %arg2[%add3A_74] : memref<16777216xf32, #tpu.memory_space<hbm>> -> memref<32768xf32, #tpu.memory_space<hbm>>
      tpu.enqueue_dma source(%dma_start3A_87 : memref<32768xf32, #tpu.memory_space<hbm>>) target(%arg5 : memref<32768xf32, #tpu.memory_space<vmem>>) target_semaphore(%run_scoped3A : memref<!tpu.dma_semaphore, #tpu.memory_space<semaphore_mem>>)
      %dma_wait3A = tpu.memref_slice %arg2[%add3A_74] : memref<16777216xf32, #tpu.memory_space<hbm>> -> memref<32768xf32, #tpu.memory_space<hbm>>
      %dma_wait3A_88 = tpu.memref_slice %arg2[%add3A_74] : memref<16777216xf32, #tpu.memory_space<hbm>> -> memref<32768xf32, #tpu.memory_space<hbm>>
      tpu.wait_dma2 semaphore(%run_scoped3A : memref<!tpu.dma_semaphore, #tpu.memory_space<semaphore_mem>>) src(%dma_wait3A_88 : memref<32768xf32, #tpu.memory_space<hbm>>) dst(%arg5 : memref<32768xf32, #tpu.memory_space<vmem>>)
      tpu.yield
    }) : () -> ()
    %add3A_75 = arith.constant 98304 : i32
    %add3A_76 = arith.addi %mul3A_21, %add3A_75 : i32
    "tpu.region"() ({
      %run_scoped3A = tpu.sem_alloc : memref<!tpu.dma_semaphore, #tpu.memory_space<semaphore_mem>>
      %dma_start3A = tpu.memref_slice %arg2[%add3A_76] : memref<16777216xf32, #tpu.memory_space<hbm>> -> memref<32768xf32, #tpu.memory_space<hbm>>
      %dma_start3A_87 = tpu.memref_slice %arg2[%add3A_76] : memref<16777216xf32, #tpu.memory_space<hbm>> -> memref<32768xf32, #tpu.memory_space<hbm>>
      tpu.enqueue_dma source(%dma_start3A_87 : memref<32768xf32, #tpu.memory_space<hbm>>) target(%arg6 : memref<32768xf32, #tpu.memory_space<vmem>>) target_semaphore(%run_scoped3A : memref<!tpu.dma_semaphore, #tpu.memory_space<semaphore_mem>>)
      %dma_wait3A = tpu.memref_slice %arg2[%add3A_76] : memref<16777216xf32, #tpu.memory_space<hbm>> -> memref<32768xf32, #tpu.memory_space<hbm>>
      %dma_wait3A_88 = tpu.memref_slice %arg2[%add3A_76] : memref<16777216xf32, #tpu.memory_space<hbm>> -> memref<32768xf32, #tpu.memory_space<hbm>>
      tpu.wait_dma2 semaphore(%run_scoped3A : memref<!tpu.dma_semaphore, #tpu.memory_space<semaphore_mem>>) src(%dma_wait3A_88 : memref<32768xf32, #tpu.memory_space<hbm>>) dst(%arg6 : memref<32768xf32, #tpu.memory_space<vmem>>)
      tpu.yield
    }) : () -> ()
    %scan3A_77 = arith.constant 0 : i32
    %scan3A_78 = arith.constant 0 : i32
    %scan3A_79 = arith.constant 256 : i32
    %scan3A_80 = arith.addi %scan3A_78, %scan3A_79 : i32
    %scan3A_81 = arith.constant 1 : i32
    scf.for %scan3A_87 = %scan3A_78 to %scan3A_80 step %scan3A_81  : i32 {
      %mul3A_88 = arith.constant 128 : i32
      %mul3A_89 = arith.muli %scan3A_87, %mul3A_88 : i32
      %add3A_90 = arith.constant 0 : i32
      %add3A_91 = arith.addi %mul3A_89, %add3A_90 : i32
      %get3A_92 = arith.index_cast %add3A_91 : i32 to index
      %get3A_93 = tpu.vector_load %arg5[%get3A_92] {strides = array<i32>} : memref<32768xf32, #tpu.memory_space<vmem>>, vector<16xf32>,
      %get3A_94 = vector.shape_cast %get3A_93 : vector<16xf32> to vector<16xf32>
      %get3A_95 = arith.index_cast %add3A_91 : i32 to index
      %get3A_96 = tpu.vector_load %arg6[%get3A_95] {strides = array<i32>} : memref<32768xf32, #tpu.memory_space<vmem>>, vector<16xf32>,
      %get3A_97 = vector.shape_cast %get3A_96 : vector<16xf32> to vector<16xf32>
      %mul3A_98 = arith.mulf %get3A_4, %get3A_94 : vector<16xf32>
      %mul3A_99 = arith.mulf %get3A_9, %get3A_97 : vector<16xf32>
      %add3A_100 = arith.addf %mul3A_98, %mul3A_99 : vector<16xf32>
      %swap3A = arith.index_cast %add3A_91 : i32 to index
      %swap3A_101 = tpu.vector_load %arg5[%swap3A] {strides = array<i32>} : memref<32768xf32, #tpu.memory_space<vmem>>, vector<16xf32>,
      %swap3A_102 = vector.shape_cast %swap3A_101 : vector<16xf32> to vector<16xf32>
      %swap3A_103 = vector.shape_cast %add3A_100 : vector<16xf32> to vector<16xf32>
      tpu.vector_store %arg5[%swap3A], %swap3A_103 {strides = array<i32>} : memref<32768xf32, #tpu.memory_space<vmem>>, vector<16xf32>,
      %mul3A_104 = arith.mulf %get3A_4, %get3A_97 : vector<16xf32>
      %mul3A_105 = arith.mulf %get3A_9, %get3A_94 : vector<16xf32>
      %add3A_106 = arith.addf %mul3A_104, %mul3A_105 : vector<16xf32>
      %swap3A_107 = arith.index_cast %add3A_91 : i32 to index
      %swap3A_108 = tpu.vector_load %arg6[%swap3A_107] {strides = array<i32>} : memref<32768xf32, #tpu.memory_space<vmem>>, vector<16xf32>,
      %swap3A_109 = vector.shape_cast %swap3A_108 : vector<16xf32> to vector<16xf32>
      %swap3A_110 = vector.shape_cast %add3A_106 : vector<16xf32> to vector<16xf32>
      tpu.vector_store %arg6[%swap3A_107], %swap3A_110 {strides = array<i32>} : memref<32768xf32, #tpu.memory_space<vmem>>, vector<16xf32>,
      %add3A_111 = arith.constant 16 : i32
      %add3A_112 = arith.addi %mul3A_89, %add3A_111 : i32
      %get3A_113 = arith.index_cast %add3A_112 : i32 to index
      %get3A_114 = tpu.vector_load %arg5[%get3A_113] {strides = array<i32>} : memref<32768xf32, #tpu.memory_space<vmem>>, vector<16xf32>,
      %get3A_115 = vector.shape_cast %get3A_114 : vector<16xf32> to vector<16xf32>
      %get3A_116 = arith.index_cast %add3A_112 : i32 to index
      %get3A_117 = tpu.vector_load %arg6[%get3A_116] {strides = array<i32>} : memref<32768xf32, #tpu.memory_space<vmem>>, vector<16xf32>,
      %get3A_118 = vector.shape_cast %get3A_117 : vector<16xf32> to vector<16xf32>
      %mul3A_119 = arith.mulf %get3A_4, %get3A_115 : vector<16xf32>
      %mul3A_120 = arith.mulf %get3A_9, %get3A_118 : vector<16xf32>
      %add3A_121 = arith.addf %mul3A_119, %mul3A_120 : vector<16xf32>
      %swap3A_122 = arith.index_cast %add3A_112 : i32 to index
      %swap3A_123 = tpu.vector_load %arg5[%swap3A_122] {strides = array<i32>} : memref<32768xf32, #tpu.memory_space<vmem>>, vector<16xf32>,
      %swap3A_124 = vector.shape_cast %swap3A_123 : vector<16xf32> to vector<16xf32>
      %swap3A_125 = vector.shape_cast %add3A_121 : vector<16xf32> to vector<16xf32>
      tpu.vector_store %arg5[%swap3A_122], %swap3A_125 {strides = array<i32>} : memref<32768xf32, #tpu.memory_space<vmem>>, vector<16xf32>,
      %mul3A_126 = arith.mulf %get3A_4, %get3A_118 : vector<16xf32>
      %mul3A_127 = arith.mulf %get3A_9, %get3A_115 : vector<16xf32>
      %add3A_128 = arith.addf %mul3A_126, %mul3A_127 : vector<16xf32>
      %swap3A_129 = arith.index_cast %add3A_112 : i32 to index
      %swap3A_130 = tpu.vector_load %arg6[%swap3A_129] {strides = array<i32>} : memref<32768xf32, #tpu.memory_space<vmem>>, vector<16xf32>,
      %swap3A_131 = vector.shape_cast %swap3A_130 : vector<16xf32> to vector<16xf32>
      %swap3A_132 = vector.shape_cast %add3A_128 : vector<16xf32> to vector<16xf32>
      tpu.vector_store %arg6[%swap3A_129], %swap3A_132 {strides = array<i32>} : memref<32768xf32, #tpu.memory_space<vmem>>, vector<16xf32>,
      %add3A_133 = arith.constant 32 : i32
      %add3A_134 = arith.addi %mul3A_89, %add3A_133 : i32
      %get3A_135 = arith.index_cast %add3A_134 : i32 to index
      %get3A_136 = tpu.vector_load %arg5[%get3A_135] {strides = array<i32>} : memref<32768xf32, #tpu.memory_space<vmem>>, vector<16xf32>,
      %get3A_137 = vector.shape_cast %get3A_136 : vector<16xf32> to vector<16xf32>
      %get3A_138 = arith.index_cast %add3A_134 : i32 to index
      %get3A_139 = tpu.vector_load %arg6[%get3A_138] {strides = array<i32>} : memref<32768xf32, #tpu.memory_space<vmem>>, vector<16xf32>,
      %get3A_140 = vector.shape_cast %get3A_139 : vector<16xf32> to vector<16xf32>
      %mul3A_141 = arith.mulf %get3A_4, %get3A_137 : vector<16xf32>
      %mul3A_142 = arith.mulf %get3A_9, %get3A_140 : vector<16xf32>
      %add3A_143 = arith.addf %mul3A_141, %mul3A_142 : vector<16xf32>
      %swap3A_144 = arith.index_cast %add3A_134 : i32 to index
      %swap3A_145 = tpu.vector_load %arg5[%swap3A_144] {strides = array<i32>} : memref<32768xf32, #tpu.memory_space<vmem>>, vector<16xf32>,
      %swap3A_146 = vector.shape_cast %swap3A_145 : vector<16xf32> to vector<16xf32>
      %swap3A_147 = vector.shape_cast %add3A_143 : vector<16xf32> to vector<16xf32>
      tpu.vector_store %arg5[%swap3A_144], %swap3A_147 {strides = array<i32>} : memref<32768xf32, #tpu.memory_space<vmem>>, vector<16xf32>,
      %mul3A_148 = arith.mulf %get3A_4, %get3A_140 : vector<16xf32>
      %mul3A_149 = arith.mulf %get3A_9, %get3A_137 : vector<16xf32>
      %add3A_150 = arith.addf %mul3A_148, %mul3A_149 : vector<16xf32>
      %swap3A_151 = arith.index_cast %add3A_134 : i32 to index
      %swap3A_152 = tpu.vector_load %arg6[%swap3A_151] {strides = array<i32>} : memref<32768xf32, #tpu.memory_space<vmem>>, vector<16xf32>,
      %swap3A_153 = vector.shape_cast %swap3A_152 : vector<16xf32> to vector<16xf32>
      %swap3A_154 = vector.shape_cast %add3A_150 : vector<16xf32> to vector<16xf32>
      tpu.vector_store %arg6[%swap3A_151], %swap3A_154 {strides = array<i32>} : memref<32768xf32, #tpu.memory_space<vmem>>, vector<16xf32>,
      %add3A_155 = arith.constant 48 : i32
      %add3A_156 = arith.addi %mul3A_89, %add3A_155 : i32
      %get3A_157 = arith.index_cast %add3A_156 : i32 to index
      %get3A_158 = tpu.vector_load %arg5[%get3A_157] {strides = array<i32>} : memref<32768xf32, #tpu.memory_space<vmem>>, vector<16xf32>,
      %get3A_159 = vector.shape_cast %get3A_158 : vector<16xf32> to vector<16xf32>
      %get3A_160 = arith.index_cast %add3A_156 : i32 to index
      %get3A_161 = tpu.vector_load %arg6[%get3A_160] {strides = array<i32>} : memref<32768xf32, #tpu.memory_space<vmem>>, vector<16xf32>,
      %get3A_162 = vector.shape_cast %get3A_161 : vector<16xf32> to vector<16xf32>
      %mul3A_163 = arith.mulf %get3A_4, %get3A_159 : vector<16xf32>
      %mul3A_164 = arith.mulf %get3A_9, %get3A_162 : vector<16xf32>
      %add3A_165 = arith.addf %mul3A_163, %mul3A_164 : vector<16xf32>
      %swap3A_166 = arith.index_cast %add3A_156 : i32 to index
      %swap3A_167 = tpu.vector_load %arg5[%swap3A_166] {strides = array<i32>} : memref<32768xf32, #tpu.memory_space<vmem>>, vector<16xf32>,
      %swap3A_168 = vector.shape_cast %swap3A_167 : vector<16xf32> to vector<16xf32>
      %swap3A_169 = vector.shape_cast %add3A_165 : vector<16xf32> to vector<16xf32>
      tpu.vector_store %arg5[%swap3A_166], %swap3A_169 {strides = array<i32>} : memref<32768xf32, #tpu.memory_space<vmem>>, vector<16xf32>,
      %mul3A_170 = arith.mulf %get3A_4, %get3A_162 : vector<16xf32>
      %mul3A_171 = arith.mulf %get3A_9, %get3A_159 : vector<16xf32>
      %add3A_172 = arith.addf %mul3A_170, %mul3A_171 : vector<16xf32>
      %swap3A_173 = arith.index_cast %add3A_156 : i32 to index
      %swap3A_174 = tpu.vector_load %arg6[%swap3A_173] {strides = array<i32>} : memref<32768xf32, #tpu.memory_space<vmem>>, vector<16xf32>,
      %swap3A_175 = vector.shape_cast %swap3A_174 : vector<16xf32> to vector<16xf32>
      %swap3A_176 = vector.shape_cast %add3A_172 : vector<16xf32> to vector<16xf32>
      tpu.vector_store %arg6[%swap3A_173], %swap3A_176 {strides = array<i32>} : memref<32768xf32, #tpu.memory_space<vmem>>, vector<16xf32>,
      %add3A_177 = arith.constant 64 : i32
      %add3A_178 = arith.addi %mul3A_89, %add3A_177 : i32
      %get3A_179 = arith.index_cast %add3A_178 : i32 to index
      %get3A_180 = tpu.vector_load %arg5[%get3A_179] {strides = array<i32>} : memref<32768xf32, #tpu.memory_space<vmem>>, vector<16xf32>,
      %get3A_181 = vector.shape_cast %get3A_180 : vector<16xf32> to vector<16xf32>
      %get3A_182 = arith.index_cast %add3A_178 : i32 to index
      %get3A_183 = tpu.vector_load %arg6[%get3A_182] {strides = array<i32>} : memref<32768xf32, #tpu.memory_space<vmem>>, vector<16xf32>,
      %get3A_184 = vector.shape_cast %get3A_183 : vector<16xf32> to vector<16xf32>
      %mul3A_185 = arith.mulf %get3A_4, %get3A_181 : vector<16xf32>
      %mul3A_186 = arith.mulf %get3A_9, %get3A_184 : vector<16xf32>
      %add3A_187 = arith.addf %mul3A_185, %mul3A_186 : vector<16xf32>
      %swap3A_188 = arith.index_cast %add3A_178 : i32 to index
      %swap3A_189 = tpu.vector_load %arg5[%swap3A_188] {strides = array<i32>} : memref<32768xf32, #tpu.memory_space<vmem>>, vector<16xf32>,
      %swap3A_190 = vector.shape_cast %swap3A_189 : vector<16xf32> to vector<16xf32>
      %swap3A_191 = vector.shape_cast %add3A_187 : vector<16xf32> to vector<16xf32>
      tpu.vector_store %arg5[%swap3A_188], %swap3A_191 {strides = array<i32>} : memref<32768xf32, #tpu.memory_space<vmem>>, vector<16xf32>,
      %mul3A_192 = arith.mulf %get3A_4, %get3A_184 : vector<16xf32>
      %mul3A_193 = arith.mulf %get3A_9, %get3A_181 : vector<16xf32>
      %add3A_194 = arith.addf %mul3A_192, %mul3A_193 : vector<16xf32>
      %swap3A_195 = arith.index_cast %add3A_178 : i32 to index
      %swap3A_196 = tpu.vector_load %arg6[%swap3A_195] {strides = array<i32>} : memref<32768xf32, #tpu.memory_space<vmem>>, vector<16xf32>,
      %swap3A_197 = vector.shape_cast %swap3A_196 : vector<16xf32> to vector<16xf32>
      %swap3A_198 = vector.shape_cast %add3A_194 : vector<16xf32> to vector<16xf32>
      tpu.vector_store %arg6[%swap3A_195], %swap3A_198 {strides = array<i32>} : memref<32768xf32, #tpu.memory_space<vmem>>, vector<16xf32>,
      %add3A_199 = arith.constant 80 : i32
      %add3A_200 = arith.addi %mul3A_89, %add3A_199 : i32
      %get3A_201 = arith.index_cast %add3A_200 : i32 to index
      %get3A_202 = tpu.vector_load %arg5[%get3A_201] {strides = array<i32>} : memref<32768xf32, #tpu.memory_space<vmem>>, vector<16xf32>,
      %get3A_203 = vector.shape_cast %get3A_202 : vector<16xf32> to vector<16xf32>
      %get3A_204 = arith.index_cast %add3A_200 : i32 to index
      %get3A_205 = tpu.vector_load %arg6[%get3A_204] {strides = array<i32>} : memref<32768xf32, #tpu.memory_space<vmem>>, vector<16xf32>,
      %get3A_206 = vector.shape_cast %get3A_205 : vector<16xf32> to vector<16xf32>
      %mul3A_207 = arith.mulf %get3A_4, %get3A_203 : vector<16xf32>
      %mul3A_208 = arith.mulf %get3A_9, %get3A_206 : vector<16xf32>
      %add3A_209 = arith.addf %mul3A_207, %mul3A_208 : vector<16xf32>
      %swap3A_210 = arith.index_cast %add3A_200 : i32 to index
      %swap3A_211 = tpu.vector_load %arg5[%swap3A_210] {strides = array<i32>} : memref<32768xf32, #tpu.memory_space<vmem>>, vector<16xf32>,
      %swap3A_212 = vector.shape_cast %swap3A_211 : vector<16xf32> to vector<16xf32>
      %swap3A_213 = vector.shape_cast %add3A_209 : vector<16xf32> to vector<16xf32>
      tpu.vector_store %arg5[%swap3A_210], %swap3A_213 {strides = array<i32>} : memref<32768xf32, #tpu.memory_space<vmem>>, vector<16xf32>,
      %mul3A_214 = arith.mulf %get3A_4, %get3A_206 : vector<16xf32>
      %mul3A_215 = arith.mulf %get3A_9, %get3A_203 : vector<16xf32>
      %add3A_216 = arith.addf %mul3A_214, %mul3A_215 : vector<16xf32>
      %swap3A_217 = arith.index_cast %add3A_200 : i32 to index
      %swap3A_218 = tpu.vector_load %arg6[%swap3A_217] {strides = array<i32>} : memref<32768xf32, #tpu.memory_space<vmem>>, vector<16xf32>,
      %swap3A_219 = vector.shape_cast %swap3A_218 : vector<16xf32> to vector<16xf32>
      %swap3A_220 = vector.shape_cast %add3A_216 : vector<16xf32> to vector<16xf32>
      tpu.vector_store %arg6[%swap3A_217], %swap3A_220 {strides = array<i32>} : memref<32768xf32, #tpu.memory_space<vmem>>, vector<16xf32>,
      %add3A_221 = arith.constant 96 : i32
      %add3A_222 = arith.addi %mul3A_89, %add3A_221 : i32
      %get3A_223 = arith.index_cast %add3A_222 : i32 to index
      %get3A_224 = tpu.vector_load %arg5[%get3A_223] {strides = array<i32>} : memref<32768xf32, #tpu.memory_space<vmem>>, vector<16xf32>,
      %get3A_225 = vector.shape_cast %get3A_224 : vector<16xf32> to vector<16xf32>
      %get3A_226 = arith.index_cast %add3A_222 : i32 to index
      %get3A_227 = tpu.vector_load %arg6[%get3A_226] {strides = array<i32>} : memref<32768xf32, #tpu.memory_space<vmem>>, vector<16xf32>,
      %get3A_228 = vector.shape_cast %get3A_227 : vector<16xf32> to vector<16xf32>
      %mul3A_229 = arith.mulf %get3A_4, %get3A_225 : vector<16xf32>
      %mul3A_230 = arith.mulf %get3A_9, %get3A_228 : vector<16xf32>
      %add3A_231 = arith.addf %mul3A_229, %mul3A_230 : vector<16xf32>
      %swap3A_232 = arith.index_cast %add3A_222 : i32 to index
      %swap3A_233 = tpu.vector_load %arg5[%swap3A_232] {strides = array<i32>} : memref<32768xf32, #tpu.memory_space<vmem>>, vector<16xf32>,
      %swap3A_234 = vector.shape_cast %swap3A_233 : vector<16xf32> to vector<16xf32>
      %swap3A_235 = vector.shape_cast %add3A_231 : vector<16xf32> to vector<16xf32>
      tpu.vector_store %arg5[%swap3A_232], %swap3A_235 {strides = array<i32>} : memref<32768xf32, #tpu.memory_space<vmem>>, vector<16xf32>,
      %mul3A_236 = arith.mulf %get3A_4, %get3A_228 : vector<16xf32>
      %mul3A_237 = arith.mulf %get3A_9, %get3A_225 : vector<16xf32>
      %add3A_238 = arith.addf %mul3A_236, %mul3A_237 : vector<16xf32>
      %swap3A_239 = arith.index_cast %add3A_222 : i32 to index
      %swap3A_240 = tpu.vector_load %arg6[%swap3A_239] {strides = array<i32>} : memref<32768xf32, #tpu.memory_space<vmem>>, vector<16xf32>,
      %swap3A_241 = vector.shape_cast %swap3A_240 : vector<16xf32> to vector<16xf32>
      %swap3A_242 = vector.shape_cast %add3A_238 : vector<16xf32> to vector<16xf32>
      tpu.vector_store %arg6[%swap3A_239], %swap3A_242 {strides = array<i32>} : memref<32768xf32, #tpu.memory_space<vmem>>, vector<16xf32>,
      %add3A_243 = arith.constant 112 : i32
      %add3A_244 = arith.addi %mul3A_89, %add3A_243 : i32
      %get3A_245 = arith.index_cast %add3A_244 : i32 to index
      %get3A_246 = tpu.vector_load %arg5[%get3A_245] {strides = array<i32>} : memref<32768xf32, #tpu.memory_space<vmem>>, vector<16xf32>,
      %get3A_247 = vector.shape_cast %get3A_246 : vector<16xf32> to vector<16xf32>
      %get3A_248 = arith.index_cast %add3A_244 : i32 to index
      %get3A_249 = tpu.vector_load %arg6[%get3A_248] {strides = array<i32>} : memref<32768xf32, #tpu.memory_space<vmem>>, vector<16xf32>,
      %get3A_250 = vector.shape_cast %get3A_249 : vector<16xf32> to vector<16xf32>
      %mul3A_251 = arith.mulf %get3A_4, %get3A_247 : vector<16xf32>
      %mul3A_252 = arith.mulf %get3A_9, %get3A_250 : vector<16xf32>
      %add3A_253 = arith.addf %mul3A_251, %mul3A_252 : vector<16xf32>
      %swap3A_254 = arith.index_cast %add3A_244 : i32 to index
      %swap3A_255 = tpu.vector_load %arg5[%swap3A_254] {strides = array<i32>} : memref<32768xf32, #tpu.memory_space<vmem>>, vector<16xf32>,
      %swap3A_256 = vector.shape_cast %swap3A_255 : vector<16xf32> to vector<16xf32>
      %swap3A_257 = vector.shape_cast %add3A_253 : vector<16xf32> to vector<16xf32>
      tpu.vector_store %arg5[%swap3A_254], %swap3A_257 {strides = array<i32>} : memref<32768xf32, #tpu.memory_space<vmem>>, vector<16xf32>,
      %mul3A_258 = arith.mulf %get3A_4, %get3A_250 : vector<16xf32>
      %mul3A_259 = arith.mulf %get3A_9, %get3A_247 : vector<16xf32>
      %add3A_260 = arith.addf %mul3A_258, %mul3A_259 : vector<16xf32>
      %swap3A_261 = arith.index_cast %add3A_244 : i32 to index
      %swap3A_262 = tpu.vector_load %arg6[%swap3A_261] {strides = array<i32>} : memref<32768xf32, #tpu.memory_space<vmem>>, vector<16xf32>,
      %swap3A_263 = vector.shape_cast %swap3A_262 : vector<16xf32> to vector<16xf32>
      %swap3A_264 = vector.shape_cast %add3A_260 : vector<16xf32> to vector<16xf32>
      tpu.vector_store %arg6[%swap3A_261], %swap3A_264 {strides = array<i32>} : memref<32768xf32, #tpu.memory_space<vmem>>, vector<16xf32>,
    }
    %scan3A_82 = arith.constant 256 : i32
    %add3A_83 = arith.constant 98304 : i32
    %add3A_84 = arith.addi %mul3A_25, %add3A_83 : i32
    "tpu.region"() ({
      %run_scoped3A = tpu.sem_alloc : memref<!tpu.dma_semaphore, #tpu.memory_space<semaphore_mem>>
      %dma_start3A = tpu.memref_slice %arg4[%add3A_84] : memref<8388608xf32, #tpu.memory_space<hbm>> -> memref<32768xf32, #tpu.memory_space<hbm>>
      %dma_start3A_87 = tpu.memref_slice %arg4[%add3A_84] : memref<8388608xf32, #tpu.memory_space<hbm>> -> memref<32768xf32, #tpu.memory_space<hbm>>
      tpu.enqueue_dma source(%arg5 : memref<32768xf32, #tpu.memory_space<vmem>>) target(%dma_start3A_87 : memref<32768xf32, #tpu.memory_space<hbm>>) target_semaphore(%run_scoped3A : memref<!tpu.dma_semaphore, #tpu.memory_space<semaphore_mem>>)
      %dma_wait3A = tpu.memref_slice %arg4[%add3A_84] : memref<8388608xf32, #tpu.memory_space<hbm>> -> memref<32768xf32, #tpu.memory_space<hbm>>
      %dma_wait3A_88 = tpu.memref_slice %arg4[%add3A_84] : memref<8388608xf32, #tpu.memory_space<hbm>> -> memref<32768xf32, #tpu.memory_space<hbm>>
      tpu.wait_dma2 semaphore(%run_scoped3A : memref<!tpu.dma_semaphore, #tpu.memory_space<semaphore_mem>>) src(%arg5 : memref<32768xf32, #tpu.memory_space<vmem>>) dst(%dma_wait3A_88 : memref<32768xf32, #tpu.memory_space<hbm>>)
      tpu.yield
    }) : () -> ()
    %add3A_85 = arith.constant 98304 : i32
    %add3A_86 = arith.addi %mul3A_31, %add3A_85 : i32
    "tpu.region"() ({
      %run_scoped3A = tpu.sem_alloc : memref<!tpu.dma_semaphore, #tpu.memory_space<semaphore_mem>>
      %dma_start3A = tpu.memref_slice %arg4[%add3A_86] : memref<8388608xf32, #tpu.memory_space<hbm>> -> memref<32768xf32, #tpu.memory_space<hbm>>
      %dma_start3A_87 = tpu.memref_slice %arg4[%add3A_86] : memref<8388608xf32, #tpu.memory_space<hbm>> -> memref<32768xf32, #tpu.memory_space<hbm>>
      tpu.enqueue_dma source(%arg6 : memref<32768xf32, #tpu.memory_space<vmem>>) target(%dma_start3A_87 : memref<32768xf32, #tpu.memory_space<hbm>>) target_semaphore(%run_scoped3A : memref<!tpu.dma_semaphore, #tpu.memory_space<semaphore_mem>>)
      %dma_wait3A = tpu.memref_slice %arg4[%add3A_86] : memref<8388608xf32, #tpu.memory_space<hbm>> -> memref<32768xf32, #tpu.memory_space<hbm>>
      %dma_wait3A_88 = tpu.memref_slice %arg4[%add3A_86] : memref<8388608xf32, #tpu.memory_space<hbm>> -> memref<32768xf32, #tpu.memory_space<hbm>>
      tpu.wait_dma2 semaphore(%run_scoped3A : memref<!tpu.dma_semaphore, #tpu.memory_space<semaphore_mem>>) src(%arg6 : memref<32768xf32, #tpu.memory_space<vmem>>) dst(%dma_wait3A_88 : memref<32768xf32, #tpu.memory_space<hbm>>)
      tpu.yield
    }) : () -> ()
    return
  }
}

module attributes {stable_mosaic.version = 14 : i64} {
  func.func @_cs_body(%arg0: memref<1x1xf32, #tpu.memory_space<smem>>, %arg1: memref<2x16xf32, #tpu.memory_space<vmem>>) attributes {dimension_semantics = [], scalar_prefetch = 0 : i64, scratch_operands = 0 : i64, tpu.core_type = #tpu.core_type<tc>} {
    %get3A = arith.constant 0 : index
    %get3A_0 = arith.constant 0 : index
    %get3A_1 = memref.load %arg0[%get3A, %get3A_0] : memref<1x1xf32, #tpu.memory_space<smem>>
    %mul3A = arith.constant 5.000000e-01 : f32
    %mul3A_2 = arith.mulf %get3A_1, %mul3A : f32
    %cos3A = math.cos %mul3A_2 : f32
    %sin3A = math.sin %mul3A_2 : f32
    %broadcast_in_dim3A = arith.constant 1.000000e+00 : f32
    %broadcast_in_dim3A_3 = vector.broadcast %broadcast_in_dim3A : f32 to vector<1x16xf32>
    %mul3A_4 = vector.broadcast %cos3A : f32 to vector<1x16xf32>
    %mul3A_5 = arith.mulf %mul3A_4, %broadcast_in_dim3A_3 : vector<1x16xf32>
    %neg3A = arith.constant 0.000000e+00 : f32
    %neg3A_6 = arith.subf %neg3A, %sin3A : f32
    %mul3A_7 = vector.broadcast %neg3A_6 : f32 to vector<1x16xf32>
    %mul3A_8 = arith.mulf %mul3A_7, %broadcast_in_dim3A_3 : vector<1x16xf32>
    %concatenate3A = tpu.concatenate %mul3A_5, %mul3A_8 in 0 : vector<1x16xf32>, vector<1x16xf32> -> vector<2x16xf32>
    %swap3A = arith.constant 0 : index
    %swap3A_9 = arith.constant 0 : index
    %swap3A_10 = vector.load %arg1[%swap3A, %swap3A_9] : memref<2x16xf32, #tpu.memory_space<vmem>>, vector<2x16xf32>
    tpu.vector_store %arg1[%swap3A, %swap3A_9], %concatenate3A {strides = array<i32>} : memref<2x16xf32, #tpu.memory_space<vmem>>, vector<2x16xf32>,
    return
  }
}

</mosaic_0001>

<sc_bundles>
// kernel: kernel.4.cloned.1.call-start
scs
__scs_entry_jumppad:
0x0: {  	(pc) =	sbr.rel $0x88, $3  }
0x1: {  	(tag) =	ssettag $0x0;
	lr =	simm.s32 $0x1  }
0x2: {  	[smem:$0x3F9F] =	sst lr;
	_ =	strace $0xD0000000  }
0x3: {  	_ = 	snop  }
0x4: {  	_ = 	snop  }
0x5: {  	_ = 	snop  }
0x6: {  	_ = 	snop  }
0x7: {  	_ = 	snop  }
__scs_overlays_trampoline_lowered:
0x8: {  	[smem:$0x3FAE] =	sst s0  }
0x9: {  	[smem:$0x3FAF] =	sst s1  }
0xa: {  	[smem:$0x3FB0] =	sst s2  }
0xb: {  	[smem:$0x3FB1] =	sst s3  }
0xc: {  	[smem:$0x3FB2] =	sst s4  }
0xd: {  	[smem:$0x3FB3] =	sst s5  }
0xe: {  	[smem:$0x3FB4] =	sst s6  }
0xf: {  	[smem:$0x3FB5] =	sst s7  }
0x10: {  	[smem:$0x3FB6] =	sst s8  }
0x11: {  	[smem:$0x3FB7] =	sst s9;
	s0 =	simm.s32 @!p0 $0x0  }
0x12: {  	s1 =	sld [smem:$0x3F9D];
	s0 =	simm.s32 @p0 $0x1  }
0x13: {  	[smem:$0x3FB8] =	sst s0;
	s0 =	simm.s32 @!p1 $0x0  }
0x14: {  	s2 =	sld [smem:$0x3F9C];
	s0 =	simm.s32 @p1 $0x1  }
0x15: {  	[smem:$0x3FB9] =	sst s0;
	s0 =	simm.s32 @!p2 $0x0  }
0x16: {  	s3 =	sld [smem:$0x3FDB];
	s0 =	simm.s32 @p2 $0x1  }
0x17: {  	s4 =	simm.s32 $0x1BF5;
	[smem:$0x3FBB] =	sst s0  }
0x18: {  	s0 =	sld [smem:$0x3F9E];
	_ =	swait.ge [sflag:s4], $0x0  }
0x19: {  	s7 =	sld [smem:$0x3F9F]  }
0x1a: {  	s8 =	sadd.s32 $0xFFFFE003, lr  }
0x1b: {  	s9 =	sadd.s32 $0xFFFFFEF7, lr;
	s5 =	simm.s32 $0xFFFFFFFF;
	p2 =	slt.u32 s8, $0xFFFFF086  }
0x1c: {  	p1 =	slt.u32 s9, $0xF7A;
	s5 =	simm.s32 @!p2 $0x0  }
0x1d: {  	s5 =	simm.s32 @p1 $0x1;
	p0 =	seq.s32 s7, s2  }
0x1e: {  	s7 =	smul.u32 @!p0 $0xF7A, s2;
	p2 =	seq.s32 @!p0 s5, $0x0  }
0x1f: {  	s9 =	smul.u32 $0xF7A, s1;
	s8 =	simm.s32 @!p0 $0x1BF5;
	p2 =	por !p2, p0  }
0x20: {  	[sflag:s8] =	ssyncset.s32 @!p0 $0xFFFFF086;
	s6 =	sadd.s32 @!p0 s3, s7;
	s7 =	simm.s32 @!p0 $0x108  }
0x21: {  	s3 =	sadd.s32 s3, s9;
	s6 =	sadd.s32 @!p0 $0x88, s6;
	s7 =	simm.s32 @p2 $0x1082  }
0x22: {  	[simem:s7], [sflag:s8] =	dma.local @!p0 [hbm:s6], $0xF7A  }
0x23: {  	s9 =	sor.u32 $0xD0000000, s2;
	s6 =	simm.s32 $0x108;
	_ =	swait.ge @!p0 [sflag:s8], $0x0  }
0x24: {  	s3 =	sadd.s32 $0x88, s3;
	s6 =	simm.s32 @!p1 $0x1082;
	[sflag:s4] =	ssyncset.s32 $0xFFFFF086  }
0x25: {  	[simem:s6], [sflag:s4] =	dma.local [hbm:s3], $0xF7A  }
0x26: {  	[smem:$0x3F9F] =	sst s1;
	(tag) =	ssettag s2;
	_ =	strace s9  }
0x27: {  	s1 =	sld [smem:$0x3FAF]  }
0x28: {  	s2 =	sld [smem:$0x3FB0]  }
0x29: {  	s4 =	sld [smem:$0x3FB2]  }
0x2a: {  	p0 =	seq.s32 s5, $0x0;
	s5 =	sld [smem:$0x3FB3]  }
0x2b: {  	s6 =	sld [smem:$0x3FB4]  }
0x2c: {  	s7 =	sld [smem:$0x3FB5]  }
0x2d: {  	s3 =	simm.s32 $0x108;
	s8 =	sld [smem:$0x3FB6]  }
0x2e: {  	s3 =	simm.s32 @!p0 $0x1082;
	s9 =	sld [smem:$0x3FB7]  }
0x2f: {  	lr =	sadd.s32 s0, s3;
	s0 =	sld [smem:$0x3FAE]  }
0x30: {  	s3 =	sld [smem:$0x3FB1]  }
0x31: {  	[smem:$0x3FBA] =	sst s10  }
0x32: {  	s10 =	sld [smem:$0x3FB8];
	_ =	sdelay $0x3  }
0x33: {  	p0 =	seq.s32 s10, $0x1;
	s10 =	sld [smem:$0x3FBA];
	_ =	sdelay $0x3  }
0x34: {  	[smem:$0x3FBA] =	sst s10  }
0x35: {  	s10 =	sld [smem:$0x3FB9];
	_ =	sdelay $0x3  }
0x36: {  	p1 =	seq.s32 s10, $0x1;
	s10 =	sld [smem:$0x3FBA];
	_ =	sdelay $0x3  }
0x37: {  	[smem:$0x3FBA] =	sst s10  }
0x38: {  	s10 =	sld [smem:$0x3FBB]  }
0x39: {  	_ = 	snop;
	(pc) =	sbr.ind lr, $3  }
0x3a: {  	_ = 	snop  }
0x3b: {  	_ = 	snop  }
0x3c: {  	p2 =	seq.s32 s10, $0x1;
	s10 =	sld [smem:$0x3FBA]  }
0x3d: {  	_ =	shalt  }
0x3e: {  	_ =	shalt  }
0x3f: {  	_ =	shalt  }
0x40: {  	_ =	shalt  }
0x41: {  	_ =	shalt  }
0x42: {  	_ =	shalt  }
0x43: {  	_ =	shalt  }
0x44: {  	_ =	shalt  }
0x45: {  	_ =	shalt  }
0x46: {  	_ =	shalt  }
0x47: {  	_ =	shalt  }
0x48: {  	_ =	shalt  }
0x49: {  	_ =	shalt  }
0x4a: {  	_ =	shalt  }
0x4b: {  	_ =	shalt  }
0x4c: {  	_ =	shalt  }
0x4d: {  	_ =	shalt  }
0x4e: {  	_ =	shalt  }
0x4f: {  	_ =	shalt  }
0x50: {  	_ =	shalt  }
0x51: {  	_ =	shalt  }
0x52: {  	_ =	shalt  }
0x53: {  	_ =	shalt  }
0x54: {  	_ =	shalt  }
0x55: {  	_ =	shalt  }
0x56: {  	_ =	shalt  }
0x57: {  	_ =	shalt  }
0x58: {  	_ =	shalt  }
0x59: {  	_ =	shalt  }
0x5a: {  	_ =	shalt  }
0x5b: {  	_ =	shalt  }
0x5c: {  	_ =	shalt  }
0x5d: {  	_ =	shalt  }
0x5e: {  	_ =	shalt  }
0x5f: {  	_ =	shalt  }
0x60: {  	_ =	shalt  }
0x61: {  	_ =	shalt  }
0x62: {  	_ =	shalt  }
0x63: {  	_ =	shalt  }
0x64: {  	_ =	shalt  }
0x65: {  	_ =	shalt  }
0x66: {  	_ =	shalt  }
0x67: {  	_ =	shalt  }
0x68: {  	_ =	shalt  }
0x69: {  	_ =	shalt  }
0x6a: {  	_ =	shalt  }
0x6b: {  	_ =	shalt  }
0x6c: {  	_ =	shalt  }
0x6d: {  	_ =	shalt  }
0x6e: {  	_ =	shalt  }
0x6f: {  	_ =	shalt  }
0x70: {  	_ =	shalt  }
0x71: {  	_ =	shalt  }
0x72: {  	_ =	shalt  }
0x73: {  	_ =	shalt  }
0x74: {  	_ =	shalt  }
0x75: {  	_ =	shalt  }
0x76: {  	_ =	shalt  }
0x77: {  	_ =	shalt  }
0x78: {  	_ =	shalt  }
0x79: {  	_ =	shalt  }
0x7a: {  	_ =	shalt  }
0x7b: {  	_ =	shalt  }
0x7c: {  	_ =	shalt  }
0x7d: {  	_ =	shalt  }
0x7e: {  	_ =	shalt  }
0x7f: {  	_ =	shalt  }
0x80: {  	_ =	shalt  }
0x81: {  	_ =	shalt  }
0x82: {  	_ =	shalt  }
0x83: {  	_ =	shalt  }
0x84: {  	_ =	shalt  }
0x85: {  	_ =	shalt  }
0x86: {  	_ =	shalt  }
0x87: {  	_ =	shalt  }
.Lfunc_end0:
.L_simem_size_0:
called_computation.1_lowered:
.L_overlay_start_0:
0x88: {  	s2 =	sld [smem:$0x3FD9]  }
0x89: {  	s3 =	sld [smem:$0x3FFE];
	_ =	sdelay $0x1  }
0x8a: {  	s1 =	srdreg.scid  }
0x8b: {  	s0 =	sand.u32 $0x1, s1  }
0x8c: {  	s17 =	sshll.u32 s0, $0xA;
	s2 =	sadd.s32 s3, s2  }
0x8d: {  	s2 =	sadd.s32 s2, s17  }
0x8e: {  	[smem:$0x3FC6] =	sst s2  }
0x8f: {  	_ = 	snop  }
0x90: {  	s2 =	sld [smem:$0x3FD0];
	(tm) =	ssettm $0x1  }
0x91: {  	s18 =	sld [smem:$0x3FFB];
	_ =	sdelay $0x3  }
0x92: {  	_ =	strace s18  }
0x93: {  	s3 =	sld [smem:$0x3FFC];
	_ =	sdelay $0x3  }
0x94: {  	_ =	strace s3  }
0x95: {  	s3 =	sld [smem:$0x3FFD];
	_ =	sdelay $0x3  }
0x96: {  	_ =	strace s3  }
0x97: {  	_ =	strace $0x8FFFFFFF  }
0x98: {  	s19 =	sld [smem:$0x3FDB];
	_ =	sdelay $0x1  }
0x99: {  	s4 =	simm.s32 $_scs_section_size  }
0x9a: {  	s5 =	simm.s32 $_size__tile_overlayer_lowered;
	s6 =	simm.s32 $_tile_overlayer_lowered  }
0x9b: {  	s22 =	simm.s32 $0x1BFF;
	s21 =	sshll.u32 s6, $0x1;
	s3 =	sadd.s32 s4, s19  }
0x9c: {  	s7 =	simm.s32 $0x0;
	s20 =	sshll.u32 s5, $0x1;
	s5 =	sadd.s32 s21, s3  }
0x9d: {  	[timem:s7], [sflag:s22] =	dma.local [hbm:s5], s20  }
0x9e: {  	_ =	swait.ge [sflag:s22], s20  }
0x9f: {  	s4 =	ssub.s32 $0x0, s20;
	[sflag:s22] =	ssyncset.done $0x0  }
0xa0: {  	[sflag:s22] =	ssyncadd.s32 s4;
	_ =	sdelay $0x1  }
0xa1: {  	s23 =	simm.s32 $0x1B8B  }
0xa2: {  	_ =	swait.ge [sflag:s23], $0x1  }
0xa3: {  	[sflag:s23] =	ssyncset.done $0x0  }
0xa4: {  	s25 =	simm.s32 $0x1B8E;
	s24 =	sld [smem:$0x3FFE];
	[sflag:s23] =	ssyncadd.s32 $0xFFFFFFFF  }
0xa5: {  	s26 =	simm.s32 $execute0_lowered;
	[smem:$0x3FD2] =	sst s25  }
0xa6: {  	s5 =	sshll.u32 s26, $0x1;
	_ =	strace $0x80000049;
	[dreg:$0x1] =	wrdreg $0xFFFFFFFF  }
0xa7: {  	s28 =	simm.s32 $_size_execute0_lowered;
	s3 =	sadd.s32 s3, s5;
	[dreg:$0x0] =	wrdreg $0x0  }
0xa8: {  	s5 =	sshll.u32 s28, $0x1;
	[dreg:$0x2] =	wrdreg s3  }
0xa9: {  	[dreg:$0x3] =	wrdreg s5  }
0xaa: {  	[dreg:$0x4] =	wrdreg $0xC0  }
0xab: {  	_ =	task [dreg:s7], $0x5FFFF  }
0xac: {  	[dreg:$0x1] =	wrdreg $0xFFFFFFFF  }
0xad: {  	[dreg:$0x0] =	wrdreg $0x60  }
0xae: {  	[dreg:$0x2] =	wrdreg s2  }
0xaf: {  	[dreg:$0x3] =	wrdreg s24  }
0xb0: {  	[dreg:$0x4] =	wrdreg $0x9  }
0xb1: {  	_ =	task.clear_ibuf [dreg:s7], $0x5FFFF;
	_ =	strace $0x90000049  }
0xb2: {  	s29 =	simm.s32 $0x9;
	_ =	strace $0x8000004B  }
0xb3: {  	_ =	swait.ge [sflag:s29], $0x1  }
0xb4: {  	[sflag:s29] =	ssyncadd.s32 $0xFFFFFFFF  }
0xb5: {  	_ =	strace $0x9000004B  }
0xb6: {  	_ =	sfence  }
0xb7: {  	s30 =	sld [smem:$0x0];
	_ =	sdelay $0x2  }
0xb8: {  	s31 =	sshll.u32 s1, $0xD;
	s1 =	sshrl.u32 s1, $0x2  }
0xb9: {  	s3 =	sand.u32 $0x4000, s31;
	s1 =	sadd.s32 s1, s30  }
0xba: {  	s0 =	sor.u32 s3, s0;
	s1 =	sshll.u32 s1, $0x11  }
0xbb: {  	s0 =	sor.u32 s1, s0  }
0xbc: {  	s0 =	sadd.s32 $0x8F2B, s0  }
0xbd: {  	[sflag:s0] =	ssyncadd.remote.s32 $0x1  }
0xbe: {  	_ =	sfence.sel $0xFFFF  }
0xbf: {  	[dreg:$0x0] =	wrdreg $0xFFFFFFFF;
	(pc) =	sbr.abs _section_cstart, $3  }
0xc0: {  	[dreg:$0x1] =	wrdreg $0xFFFFFFFF  }
0xc1: {  	_ =	task.clear_ibuf [dreg:s7], $0x2FFFF;
	_ =	strace $0x9FFFFFFF  }
0xc2: {  	(tm) =	ssettm $0x7FFFFFFF  }
0xc3: {  	_ =	shalt  }
tec
execute0_lowered:
.L_overlay_start_1:
0x0: {  	(tag) =	ssettag $0x1  }
0x1: {  	s4 =	rddreg [dreg:$0x0]  }
0x2: {  	s5 =	rddreg [dreg:$0x1]  }
0x3: {  	s0 =	rddreg [dreg:$0x2]  }
0x4: {  	s2 =	simm.s32 $0x0;
	s3 =	srdreg.scid;
	s1 =	stileid.u32  }
0x5: {  	s21 =	simm.s32 $0x10000;
	s22 =	simm.s32 $0x1;
	s23 =	simm.s32 $0x8000  }
0x6: {  	s24 =	simm.s32 $0x0;
	[smem:$0x7FF] =	sst s2;
	s3 =	sand.u32 $0x1, s3  }
0x7: {  	s6 =	sshll.u32 s1, $0xF;
	_ =	strace $0x8000004A;
	s7 =	sshll.u32 s3, $0xE  }
0x8: {  	s8 =	ssub.s32 $0x2, s3;
	s3 =	sadd.s32 $0xA00, s5;
	s6 =	sor.u32 s7, s6  }
0x9: {  	s31 =	sshrl.u32 s8, $0x1;
	s19 =	sadd.s32 s6, s5;
	s17 =	sadd.s32 s6, s4  }
0xa: {  	s20 =	ssub.s32 s8, s31;
	s4 =	sadd.s32 $0x100000, s17;
	s5 =	sadd.s32 $0x180000, s17  }
0xb: {  	s6 =	sadd.s32 $0xC00, s19;
	s7 =	sadd.s32 $0x80C00, s19;
	s8 =	sadd.s32 $0x101000, s17  }
0xc: {  	s9 =	sadd.s32 $0x181000, s17;
	s10 =	sadd.s32 $0x1C00, s19;
	s11 =	sadd.s32 $0x81C00, s19  }
0xd: {  	s12 =	sadd.s32 $0x102000, s17;
	s13 =	sadd.s32 $0x182000, s17;
	s14 =	sadd.s32 $0x2C00, s19  }
0xe: {  	s15 =	sadd.s32 $0x82C00, s19;
	s16 =	sadd.s32 $0x103000, s17;
	s17 =	sadd.s32 $0x183000, s17  }
0xf: {  	s18 =	sadd.s32 $0x3C00, s19;
	s19 =	sadd.s32 $0x83C00, s19;
	s20 =	smax.u32 s20, $0x1  }
.LBB2_1:
0x10: {  	[tilespmem:s21], [sflag:$0x1] =	stream.linear.gather [hbm4b:s3+s2], $0x100, $0x38;
	[tilespmem:$0x10100] =	vst v63  }
0x11: {  	_ =	swait.ge [sflag:s22], $0x100  }
0x12: {  	[sflag:s22] =	ssyncset.done $0x0  }
0x13: {  	[sflag:s22] =	ssyncadd.s32 $0xFFFFFF00  }
0x14: {  	v0 =	vld [tilespmem:$0x10000]  }
0x15: {  	v1 =	vld [tilespmem:$0x10080];
	[tilespmem:s2], [sflag:$0x1] =	stream.linear.gather [hbm4b:s4+s2], $0x8000, $0x38  }
0x16: {  	_ =	swait.ge [sflag:s22], $0x8000  }
0x17: {  	[sflag:s22] =	ssyncset.done $0x0  }
0x18: {  	[sflag:s22] =	ssyncadd.s32 $0xFFFF8000  }
0x19: {  	[tilespmem:s23], [sflag:$0x1] =	stream.linear.gather [hbm4b:s5+s2], $0x8000, $0x38;
	[tilespmem:$0x10100] =	vst v63  }
0x1a: {  	_ =	swait.ge [sflag:s22], $0x8000  }
0x1b: {  	[sflag:s22] =	ssyncset.done $0x0  }
0x1c: {  	s26 =	simm.s32 $0x0;
	[sflag:s22] =	ssyncadd.s32 $0xFFFF8000  }
0x1d: {  	v3 =	vld [tilespmem:s26+$0x50]  }
0x1e: {  	v2 =	vld [tilespmem:s26+$0x8060]  }
0x1f: {  	v5 =	vld [tilespmem:s26+$0x60]  }
0x20: {  	v4 =	vld [tilespmem:s26+$0x8000]  }
0x21: {  	v6 =	vld [tilespmem:s26+$0x8050]  }
0x22: {  	v7 =	vld [tilespmem:s26+$0x8020]  }
0x23: {  	v8 =	vld [tilespmem:s26+$0x0]  }
0x24: {  	v9 =	vld [tilespmem:s26+$0x40];
	v11 =	vmul.f32 v2, v0;
	v12 =	vmul.f32 v5, v1  }
0x25: {  	v10 =	vld [tilespmem:s26+$0x8010]  }
0x26: {  	v19 =	vld [tilespmem:s26+$0x8030];
	v15 =	vmul.f32 v3, v0;
	v16 =	vmul.f32 v6, v1;
	v11 =	vadd.f32 v11, v12  }
0x27: {  	v13 =	vld [tilespmem:s26+$0x30]  }
0x28: {  	v18 =	vmul.f32 v8, v1;
	v5 =	vmul.f32 v5, v0;
	v12 =	vld [tilespmem:s26+$0x70];
	[tilespmem:s26+$0x8060] =	vst v11;
	v11 =	vadd.f32 v16, v15  }
0x29: {  	v14 =	vld [tilespmem:s26+$0x20];
	v6 =	vmul.f32 v6, v0;
	v16 =	vmul.f32 v4, v0  }
0x2a: {  	v3 =	vmul.f32 v3, v1;
	v15 =	vld [tilespmem:s26+$0x10];
	[tilespmem:s26+$0x50] =	vst v11;
	v11 =	vmul.f32 v2, v1  }
0x2b: {  	v17 =	vld [tilespmem:s26+$0x8040];
	v23 =	vmul.f32 v19, v1;
	v62 =	vmul.f32 v10, v1;
	v16 =	vadd.f32 v16, v18  }
0x2c: {  	s25 =	simm.s32 $0x80;
	v3 =	vadd.f32 v6, v3;
	v6 =	vmul.f32 v8, v0;
	v18 =	vld [tilespmem:s26+$0x8070];
	v5 =	vadd.f32 v11, v5  }
0x2d: {  	v4 =	vmul.f32 v4, v1;
	v2 =	vld [tilespmem:s25+$0x50];
	v63 =	vmul.f32 v12, v1;
	[tilespmem:s26+$0x8000] =	vst v16  }
0x2e: {  	v16 =	vmul.f32 v7, v0;
	v11 =	vld [tilespmem:s25+$0x8060];
	[tilespmem:s26+$0x60] =	vst v5;
	v5 =	vmul.f32 v14, v1  }
0x2f: {  	v7 =	vmul.f32 v7, v1;
	v22 =	vmul.f32 v15, v1  }
0x30: {  	v24 =	vmul.f32 v15, v0;
	v14 =	vmul.f32 v14, v0;
	v20 =	vld [tilespmem:s25+$0x8000];
	v5 =	vadd.f32 v16, v5  }
0x31: {  	v6 =	vadd.f32 v4, v6;
	v21 =	vld [tilespmem:s25+$0x60];
	[tilespmem:s26+$0x8050] =	vst v3;
	v3 =	vmul.f32 v9, v0;
	v16 =	vmul.f32 v17, v1  }
0x32: {  	v26 =	vmul.f32 v18, v0;
	v8 =	vld [tilespmem:s25+$0x8050];
	[tilespmem:s26+$0x8020] =	vst v5;
	v5 =	vmul.f32 v10, v0  }
0x33: {  	v7 =	vadd.f32 v7, v14;
	v3 =	vadd.f32 v16, v3;
	v4 =	vld [tilespmem:s25+$0x8020];
	[tilespmem:s26+$0x0] =	vst v6;
	v6 =	vmul.f32 v13, v0  }
0x34: {  	v14 =	vmul.f32 v19, v0;
	v17 =	vmul.f32 v17, v0;
	v5 =	vadd.f32 v5, v22  }
0x35: {  	v10 =	vmul.f32 v12, v0;
	v12 =	vmul.f32 v18, v1;
	v16 =	vld [tilespmem:s25+$0x0];
	[tilespmem:s26+$0x40] =	vst v3;
	v6 =	vadd.f32 v23, v6  }
0x36: {  	v19 =	vmul.f32 v11, v1;
	v18 =	vmul.f32 v2, v0;
	v3 =	vld [tilespmem:s25+$0x40];
	[tilespmem:s26+$0x8010] =	vst v5  }
0x37: {  	v13 =	vmul.f32 v13, v1;
	v5 =	vld [tilespmem:s25+$0x8010];
	[tilespmem:s26+$0x30] =	vst v6;
	v6 =	vmul.f32 v9, v1  }
0x38: {  	v12 =	vadd.f32 v12, v10;
	v25 =	vmul.f32 v21, v1;
	v9 =	vld [tilespmem:s25+$0x30];
	[tilespmem:s26+$0x20] =	vst v7;
	v7 =	vmul.f32 v11, v0  }
0x39: {  	v15 =	vmul.f32 v20, v0;
	v21 =	vmul.f32 v21, v0;
	v17 =	vadd.f32 v17, v6  }
0x3a: {  	v22 =	vadd.f32 v62, v24;
	v27 =	vmul.f32 v8, v1;
	v10 =	vld [tilespmem:s25+$0x20];
	[tilespmem:s26+$0x70] =	vst v12;
	v25 =	vadd.f32 v7, v25  }
0x3b: {  	v11 =	vmul.f32 v8, v0;
	v8 =	vmul.f32 v4, v1;
	v12 =	vadd.f32 v14, v13;
	v6 =	vld [tilespmem:s25+$0x70];
	[tilespmem:s26+$0x8040] =	vst v17  }
0x3c: {  	v13 =	vmul.f32 v16, v0;
	v14 =	vmul.f32 v20, v1;
	v17 =	vadd.f32 v27, v18;
	v7 =	vld [tilespmem:s25+$0x8040];
	[tilespmem:s25+$0x8060] =	vst v25  }
0x3d: {  	s28 =	simm.s32 $0x400;
	v18 =	vmul.f32 v16, v1;
	v16 =	vadd.f32 v19, v21;
	v19 =	vadd.f32 v26, v63;
	[tilespmem:s26+$0x10] =	vst v22  }
.LBB2_2:
0x3e: {  	s29 =	sshra.s32 s28, $0x2;
	p0 =	sne.s32 s28, $0x1FE00;
	s28 =	sadd.s32 $0x200, s28;
	v20 =	vld [tilespmem:s25+$0x10];
	v21 =	vmul.f32 v5, v0;
	v22 =	vmul.f32 v2, v1;
	[tilespmem:s26+$0x8030] =	vst v12  }
0x3f: {  	v12 =	vadd.f32 v15, v18;
	v15 =	vld [tilespmem:s25+$0x8030];
	v18 =	vmul.f32 v9, v0;
	v9 =	vmul.f32 v9, v1;
	[tilespmem:s26+$0x8070] =	vst v19;
	s26 =	smov.u32 s25;
	s25 =	smov.u32 s29  }
0x40: {  	v23 =	vmul.f32 v3, v0;
	v19 =	vmul.f32 v10, v1;
	[tilespmem:s26+$0x50] =	vst v17;
	v17 =	vld [tilespmem:s26+$0x8070]  }
0x41: {  	v13 =	vadd.f32 v14, v13;
	v4 =	vmul.f32 v4, v0;
	v2 =	vld [tilespmem:s25+$0x50];
	[tilespmem:s26+$0x8000] =	vst v12;
	v12 =	vmul.f32 v7, v1  }
0x42: {  	v24 =	vmul.f32 v5, v1;
	v5 =	vadd.f32 v11, v22;
	v22 =	vmul.f32 v6, v1;
	v14 =	vld [tilespmem:s25+$0x8060];
	[tilespmem:s26+$0x60] =	vst v16  }
0x43: {  	v4 =	vadd.f32 v4, v19;
	v19 =	vmul.f32 v3, v1;
	v16 =	vld [tilespmem:s25+$0x8000];
	v11 =	vmul.f32 v20, v1  }
0x44: {  	v3 =	vmul.f32 v10, v0;
	v12 =	vadd.f32 v12, v23;
	v25 =	vld [tilespmem:s25+$0x60];
	v10 =	vmul.f32 v15, v1;
	[tilespmem:s26+$0x8050] =	vst v5  }
0x45: {  	v6 =	vmul.f32 v6, v0;
	v23 =	vld [tilespmem:s25+$0x8050];
	v5 =	vadd.f32 v21, v11;
	[tilespmem:s26+$0x8020] =	vst v4;
	v11 =	vmul.f32 v17, v1  }
0x46: {  	v8 =	vadd.f32 v8, v3;
	v4 =	vld [tilespmem:s25+$0x8020];
	[tilespmem:s26+$0x0] =	vst v13;
	v10 =	vadd.f32 v10, v18;
	v13 =	vmul.f32 v15, v0  }
0x47: {  	v18 =	vld [tilespmem:s25+$0x0];
	v21 =	vmul.f32 v14, v1;
	v14 =	vmul.f32 v14, v0;
	[tilespmem:s26+$0x40] =	vst v12;
	v6 =	vadd.f32 v11, v6  }
0x48: {  	v7 =	vmul.f32 v7, v0;
	v20 =	vmul.f32 v20, v0;
	v3 =	vld [tilespmem:s25+$0x40];
	[tilespmem:s26+$0x8010] =	vst v5  }
0x49: {  	v27 =	vmul.f32 v17, v0;
	v12 =	vadd.f32 v13, v9;
	v5 =	vld [tilespmem:s25+$0x8010];
	v26 =	vmul.f32 v25, v1;
	[tilespmem:s26+$0x30] =	vst v10  }
.Ltmp0:
0x4a: {  	v7 =	vadd.f32 v7, v19;
	v17 =	vmul.f32 v2, v0;
	v9 =	vld [tilespmem:s25+$0x30];
	v11 =	vmul.f32 v23, v0;
	[tilespmem:s26+$0x20] =	vst v8;
	(pc) =	sbr.rel @p0 .LBB2_2-.Ltmp0, $4  }
0x4b: {  	v15 =	vmul.f32 v16, v0;
	v19 =	vmul.f32 v23, v1;
	v10 =	vld [tilespmem:s25+$0x20];
	v23 =	vadd.f32 v14, v26;
	[tilespmem:s26+$0x70] =	vst v6  }
0x4c: {  	v20 =	vadd.f32 v24, v20;
	v25 =	vmul.f32 v25, v0;
	v8 =	vmul.f32 v4, v1;
	v6 =	vld [tilespmem:s25+$0x70];
	[tilespmem:s26+$0x8040] =	vst v7  }
0x4d: {  	v14 =	vmul.f32 v16, v1;
	v13 =	vmul.f32 v18, v0;
	v17 =	vadd.f32 v19, v17;
	v7 =	vld [tilespmem:s25+$0x8040];
	[tilespmem:s25+$0x8060] =	vst v23  }
0x4e: {  	v16 =	vadd.f32 v21, v25;
	v18 =	vmul.f32 v18, v1;
	v19 =	vadd.f32 v27, v22;
	[tilespmem:s26+$0x10] =	vst v20  }
0x4f: {  	v20 =	vld [tilespmem:s25+$0x10];
	[tilespmem:s26+$0x8030] =	vst v12  }
0x50: {  	v12 =	vld [tilespmem:s25+$0x8030];
	[tilespmem:s26+$0x8070] =	vst v19  }
0x51: {  	v2 =	vmul.f32 v2, v1;
	v15 =	vadd.f32 v15, v18;
	[tilespmem:s25+$0x50] =	vst v17  }
0x52: {  	v4 =	vmul.f32 v4, v0;
	v13 =	vadd.f32 v14, v13;
	v17 =	vmul.f32 v10, v1;
	[tilespmem:s25+$0x60] =	vst v16  }
0x53: {  	v18 =	vld [tilespmem:s25+$0x8070];
	v2 =	vadd.f32 v11, v2;
	v11 =	vmul.f32 v3, v0;
	[tilespmem:s25+$0x8000] =	vst v15;
	v15 =	vmul.f32 v7, v1  }
0x54: {  	[tilespmem:s25+$0x0] =	vst v13;
	v3 =	vmul.f32 v3, v1;
	v7 =	vmul.f32 v7, v0;
	v4 =	vadd.f32 v4, v17  }
0x55: {  	v16 =	vmul.f32 v5, v0;
	[tilespmem:s25+$0x8050] =	vst v2;
	v14 =	vmul.f32 v20, v1;
	v11 =	vadd.f32 v15, v11  }
0x56: {  	v2 =	vmul.f32 v9, v0;
	v3 =	vadd.f32 v7, v3;
	v17 =	vmul.f32 v12, v1;
	[tilespmem:s25+$0x8020] =	vst v4  }
0x57: {  	v4 =	vmul.f32 v10, v0;
	v10 =	vadd.f32 v16, v14;
	[tilespmem:s25+$0x40] =	vst v11  }
0x58: {  	v13 =	vmul.f32 v6, v0;
	v14 =	vmul.f32 v18, v1;
	[tilespmem:s25+$0x8040] =	vst v3;
	v2 =	vadd.f32 v17, v2  }
0x59: {  	v5 =	vmul.f32 v5, v1;
	v4 =	vadd.f32 v8, v4;
	[tilespmem:s25+$0x8010] =	vst v10;
	v10 =	vmul.f32 v20, v0  }
0x5a: {  	v8 =	vadd.f32 v14, v13;
	[tilespmem:s25+$0x30] =	vst v2;
	v2 =	vmul.f32 v9, v1;
	v9 =	vmul.f32 v12, v0  }
0x5b: {  	[tilespmem:s25+$0x20] =	vst v4;
	v4 =	vmul.f32 v6, v1;
	v6 =	vmul.f32 v18, v0;
	v5 =	vadd.f32 v5, v10  }
0x5c: {  	[tilespmem:s25+$0x70] =	vst v8;
	v2 =	vadd.f32 v9, v2  }
0x5d: {  	v3 =	vadd.f32 v6, v4;
	[tilespmem:s25+$0x10] =	vst v5  }
0x5e: {  	[tilespmem:s25+$0x8030] =	vst v2  }
0x5f: {  	s31 =	simm.s32 $0x0;
	[tilespmem:s25+$0x8070] =	vst v3  }
0x60: {  	[hbm4b:s6+s31] =	stream.linear.scatter [tilespmem:s31], [sflag:$0x1], $0x8000, $0x38;
	[tilespmem:$0x10100] =	vst v63  }
0x61: {  	_ =	swait.ge [sflag:s22], $0x8000  }
0x62: {  	[sflag:s22] =	ssyncset.done $0x0  }
0x63: {  	[sflag:s22] =	ssyncadd.s32 $0xFFFF8000  }
0x64: {  	[hbm4b:s7+s31] =	stream.linear.scatter [tilespmem:s23], [sflag:$0x1], $0x8000, $0x38;
	[tilespmem:$0x10100] =	vst v63  }
0x65: {  	_ =	swait.ge [sflag:s22], $0x8000  }
0x66: {  	[sflag:s22] =	ssyncset.done $0x0  }
0x67: {  	[sflag:s22] =	ssyncadd.s32 $0xFFFF8000  }
0x68: {  	[tilespmem:s31], [sflag:$0x1] =	stream.linear.gather [hbm4b:s8+s31], $0x8000, $0x38;
	[tilespmem:$0x10100] =	vst v63  }
0x69: {  	_ =	swait.ge [sflag:s22], $0x8000  }
0x6a: {  	[sflag:s22] =	ssyncset.done $0x0  }
0x6b: {  	[sflag:s22] =	ssyncadd.s32 $0xFFFF8000  }
0x6c: {  	[tilespmem:s23], [sflag:$0x1] =	stream.linear.gather [hbm4b:s9+s31], $0x8000, $0x38;
	[tilespmem:$0x10100] =	vst v63  }
0x6d: {  	_ =	swait.ge [sflag:s22], $0x8000  }
0x6e: {  	[sflag:s22] =	ssyncset.done $0x0  }
0x6f: {  	s26 =	simm.s32 $0x0;
	[sflag:s22] =	ssyncadd.s32 $0xFFFF8000  }
0x70: {  	v3 =	vld [tilespmem:s26+$0x50]  }
0x71: {  	v2 =	vld [tilespmem:s26+$0x8060]  }
0x72: {  	v5 =	vld [tilespmem:s26+$0x60]  }
0x73: {  	v4 =	vld [tilespmem:s26+$0x8000]  }
0x74: {  	v6 =	vld [tilespmem:s26+$0x8050]  }
0x75: {  	v7 =	vld [tilespmem:s26+$0x8020]  }
0x76: {  	v8 =	vld [tilespmem:s26+$0x0]  }
0x77: {  	v9 =	vld [tilespmem:s26+$0x40];
	v11 =	vmul.f32 v2, v0;
	v12 =	vmul.f32 v5, v1  }
0x78: {  	v10 =	vld [tilespmem:s26+$0x8010]  }
0x79: {  	v19 =	vld [tilespmem:s26+$0x8030];
	v15 =	vmul.f32 v3, v0;
	v16 =	vmul.f32 v6, v1;
	v11 =	vadd.f32 v11, v12  }
0x7a: {  	v13 =	vld [tilespmem:s26+$0x30]  }
0x7b: {  	v18 =	vmul.f32 v8, v1;
	v5 =	vmul.f32 v5, v0;
	v12 =	vld [tilespmem:s26+$0x70];
	[tilespmem:s26+$0x8060] =	vst v11;
	v11 =	vadd.f32 v16, v15  }
0x7c: {  	v14 =	vld [tilespmem:s26+$0x20];
	v6 =	vmul.f32 v6, v0;
	v16 =	vmul.f32 v4, v0  }
0x7d: {  	v3 =	vmul.f32 v3, v1;
	v15 =	vld [tilespmem:s26+$0x10];
	[tilespmem:s26+$0x50] =	vst v11;
	v11 =	vmul.f32 v2, v1  }
0x7e: {  	v17 =	vld [tilespmem:s26+$0x8040];
	v23 =	vmul.f32 v19, v1;
	v62 =	vmul.f32 v10, v1;
	v16 =	vadd.f32 v16, v18  }
0x7f: {  	s25 =	simm.s32 $0x80;
	v3 =	vadd.f32 v6, v3;
	v6 =	vmul.f32 v8, v0;
	v18 =	vld [tilespmem:s26+$0x8070];
	v5 =	vadd.f32 v11, v5  }
0x80: {  	v4 =	vmul.f32 v4, v1;
	v2 =	vld [tilespmem:s25+$0x50];
	v63 =	vmul.f32 v12, v1;
	[tilespmem:s26+$0x8000] =	vst v16  }
0x81: {  	v16 =	vmul.f32 v7, v0;
	v11 =	vld [tilespmem:s25+$0x8060];
	[tilespmem:s26+$0x60] =	vst v5;
	v5 =	vmul.f32 v14, v1  }
0x82: {  	v7 =	vmul.f32 v7, v1;
	v22 =	vmul.f32 v15, v1  }
0x83: {  	v24 =	vmul.f32 v15, v0;
	v14 =	vmul.f32 v14, v0;
	v20 =	vld [tilespmem:s25+$0x8000];
	v5 =	vadd.f32 v16, v5  }
0x84: {  	v6 =	vadd.f32 v4, v6;
	v21 =	vld [tilespmem:s25+$0x60];
	[tilespmem:s26+$0x8050] =	vst v3;
	v3 =	vmul.f32 v9, v0;
	v16 =	vmul.f32 v17, v1  }
0x85: {  	v26 =	vmul.f32 v18, v0;
	v8 =	vld [tilespmem:s25+$0x8050];
	[tilespmem:s26+$0x8020] =	vst v5;
	v5 =	vmul.f32 v10, v0  }
0x86: {  	v7 =	vadd.f32 v7, v14;
	v3 =	vadd.f32 v16, v3;
	v4 =	vld [tilespmem:s25+$0x8020];
	[tilespmem:s26+$0x0] =	vst v6;
	v6 =	vmul.f32 v13, v0  }
0x87: {  	v14 =	vmul.f32 v19, v0;
	v17 =	vmul.f32 v17, v0;
	v5 =	vadd.f32 v5, v22  }
0x88: {  	v10 =	vmul.f32 v12, v0;
	v12 =	vmul.f32 v18, v1;
	v16 =	vld [tilespmem:s25+$0x0];
	[tilespmem:s26+$0x40] =	vst v3;
	v6 =	vadd.f32 v23, v6  }
0x89: {  	v19 =	vmul.f32 v11, v1;
	v18 =	vmul.f32 v2, v0;
	v3 =	vld [tilespmem:s25+$0x40];
	[tilespmem:s26+$0x8010] =	vst v5  }
0x8a: {  	v13 =	vmul.f32 v13, v1;
	v5 =	vld [tilespmem:s25+$0x8010];
	[tilespmem:s26+$0x30] =	vst v6;
	v6 =	vmul.f32 v9, v1  }
0x8b: {  	v12 =	vadd.f32 v12, v10;
	v25 =	vmul.f32 v21, v1;
	v9 =	vld [tilespmem:s25+$0x30];
	[tilespmem:s26+$0x20] =	vst v7;
	v7 =	vmul.f32 v11, v0  }
0x8c: {  	v15 =	vmul.f32 v20, v0;
	v21 =	vmul.f32 v21, v0;
	v17 =	vadd.f32 v17, v6  }
0x8d: {  	v22 =	vadd.f32 v62, v24;
	v27 =	vmul.f32 v8, v1;
	v10 =	vld [tilespmem:s25+$0x20];
	[tilespmem:s26+$0x70] =	vst v12;
	v25 =	vadd.f32 v7, v25  }
0x8e: {  	v11 =	vmul.f32 v8, v0;
	v8 =	vmul.f32 v4, v1;
	v12 =	vadd.f32 v14, v13;
	v6 =	vld [tilespmem:s25+$0x70];
	[tilespmem:s26+$0x8040] =	vst v17  }
0x8f: {  	v13 =	vmul.f32 v16, v0;
	v14 =	vmul.f32 v20, v1;
	v17 =	vadd.f32 v27, v18;
	v7 =	vld [tilespmem:s25+$0x8040];
	[tilespmem:s25+$0x8060] =	vst v25  }
0x90: {  	s28 =	simm.s32 $0x400;
	v18 =	vmul.f32 v16, v1;
	v16 =	vadd.f32 v19, v21;
	v19 =	vadd.f32 v26, v63;
	[tilespmem:s26+$0x10] =	vst v22  }
.LBB2_4:
0x91: {  	s29 =	sshra.s32 s28, $0x2;
	p0 =	sne.s32 s28, $0x1FE00;
	s28 =	sadd.s32 $0x200, s28;
	v20 =	vld [tilespmem:s25+$0x10];
	v21 =	vmul.f32 v5, v0;
	v22 =	vmul.f32 v2, v1;
	[tilespmem:s26+$0x8030] =	vst v12  }
0x92: {  	v12 =	vadd.f32 v15, v18;
	v15 =	vld [tilespmem:s25+$0x8030];
	v18 =	vmul.f32 v9, v0;
	v9 =	vmul.f32 v9, v1;
	[tilespmem:s26+$0x8070] =	vst v19;
	s26 =	smov.u32 s25;
	s25 =	smov.u32 s29  }
0x93: {  	v23 =	vmul.f32 v3, v0;
	v19 =	vmul.f32 v10, v1;
	[tilespmem:s26+$0x50] =	vst v17;
	v17 =	vld [tilespmem:s26+$0x8070]  }
0x94: {  	v13 =	vadd.f32 v14, v13;
	v4 =	vmul.f32 v4, v0;
	v2 =	vld [tilespmem:s25+$0x50];
	[tilespmem:s26+$0x8000] =	vst v12;
	v12 =	vmul.f32 v7, v1  }
0x95: {  	v24 =	vmul.f32 v5, v1;
	v5 =	vadd.f32 v11, v22;
	v22 =	vmul.f32 v6, v1;
	v14 =	vld [tilespmem:s25+$0x8060];
	[tilespmem:s26+$0x60] =	vst v16  }
0x96: {  	v4 =	vadd.f32 v4, v19;
	v19 =	vmul.f32 v3, v1;
	v16 =	vld [tilespmem:s25+$0x8000];
	v11 =	vmul.f32 v20, v1  }
0x97: {  	v3 =	vmul.f32 v10, v0;
	v12 =	vadd.f32 v12, v23;
	v25 =	vld [tilespmem:s25+$0x60];
	v10 =	vmul.f32 v15, v1;
	[tilespmem:s26+$0x8050] =	vst v5  }
0x98: {  	v6 =	vmul.f32 v6, v0;
	v23 =	vld [tilespmem:s25+$0x8050];
	v5 =	vadd.f32 v21, v11;
	[tilespmem:s26+$0x8020] =	vst v4;
	v11 =	vmul.f32 v17, v1  }
0x99: {  	v8 =	vadd.f32 v8, v3;
	v4 =	vld [tilespmem:s25+$0x8020];
	[tilespmem:s26+$0x0] =	vst v13;
	v10 =	vadd.f32 v10, v18;
	v13 =	vmul.f32 v15, v0  }
0x9a: {  	v18 =	vld [tilespmem:s25+$0x0];
	v21 =	vmul.f32 v14, v1;
	v14 =	vmul.f32 v14, v0;
	[tilespmem:s26+$0x40] =	vst v12;
	v6 =	vadd.f32 v11, v6  }
0x9b: {  	v7 =	vmul.f32 v7, v0;
	v20 =	vmul.f32 v20, v0;
	v3 =	vld [tilespmem:s25+$0x40];
	[tilespmem:s26+$0x8010] =	vst v5  }
0x9c: {  	v27 =	vmul.f32 v17, v0;
	v12 =	vadd.f32 v13, v9;
	v5 =	vld [tilespmem:s25+$0x8010];
	v26 =	vmul.f32 v25, v1;
	[tilespmem:s26+$0x30] =	vst v10  }
.Ltmp1:
0x9d: {  	v7 =	vadd.f32 v7, v19;
	v17 =	vmul.f32 v2, v0;
	v9 =	vld [tilespmem:s25+$0x30];
	v11 =	vmul.f32 v23, v0;
	[tilespmem:s26+$0x20] =	vst v8;
	(pc) =	sbr.rel @p0 .LBB2_4-.Ltmp1, $4  }
0x9e: {  	v15 =	vmul.f32 v16, v0;
	v19 =	vmul.f32 v23, v1;
	v10 =	vld [tilespmem:s25+$0x20];
	v23 =	vadd.f32 v14, v26;
	[tilespmem:s26+$0x70] =	vst v6  }
0x9f: {  	v20 =	vadd.f32 v24, v20;
	v25 =	vmul.f32 v25, v0;
	v8 =	vmul.f32 v4, v1;
	v6 =	vld [tilespmem:s25+$0x70];
	[tilespmem:s26+$0x8040] =	vst v7  }
0xa0: {  	v14 =	vmul.f32 v16, v1;
	v13 =	vmul.f32 v18, v0;
	v17 =	vadd.f32 v19, v17;
	v7 =	vld [tilespmem:s25+$0x8040];
	[tilespmem:s25+$0x8060] =	vst v23  }
0xa1: {  	v16 =	vadd.f32 v21, v25;
	v18 =	vmul.f32 v18, v1;
	v19 =	vadd.f32 v27, v22;
	[tilespmem:s26+$0x10] =	vst v20  }
0xa2: {  	v20 =	vld [tilespmem:s25+$0x10];
	[tilespmem:s26+$0x8030] =	vst v12  }
0xa3: {  	v12 =	vld [tilespmem:s25+$0x8030];
	[tilespmem:s26+$0x8070] =	vst v19  }
0xa4: {  	v2 =	vmul.f32 v2, v1;
	v15 =	vadd.f32 v15, v18;
	[tilespmem:s25+$0x50] =	vst v17  }
0xa5: {  	v4 =	vmul.f32 v4, v0;
	v13 =	vadd.f32 v14, v13;
	v17 =	vmul.f32 v10, v1;
	[tilespmem:s25+$0x60] =	vst v16  }
0xa6: {  	v18 =	vld [tilespmem:s25+$0x8070];
	v2 =	vadd.f32 v11, v2;
	v11 =	vmul.f32 v3, v0;
	[tilespmem:s25+$0x8000] =	vst v15;
	v15 =	vmul.f32 v7, v1  }
0xa7: {  	[tilespmem:s25+$0x0] =	vst v13;
	v3 =	vmul.f32 v3, v1;
	v7 =	vmul.f32 v7, v0;
	v4 =	vadd.f32 v4, v17  }
0xa8: {  	v16 =	vmul.f32 v5, v0;
	[tilespmem:s25+$0x8050] =	vst v2;
	v14 =	vmul.f32 v20, v1;
	v11 =	vadd.f32 v15, v11  }
0xa9: {  	v2 =	vmul.f32 v9, v0;
	v3 =	vadd.f32 v7, v3;
	v17 =	vmul.f32 v12, v1;
	[tilespmem:s25+$0x8020] =	vst v4  }
0xaa: {  	v4 =	vmul.f32 v10, v0;
	v10 =	vadd.f32 v16, v14;
	[tilespmem:s25+$0x40] =	vst v11  }
0xab: {  	v13 =	vmul.f32 v6, v0;
	v14 =	vmul.f32 v18, v1;
	[tilespmem:s25+$0x8040] =	vst v3;
	v2 =	vadd.f32 v17, v2  }
0xac: {  	v5 =	vmul.f32 v5, v1;
	v4 =	vadd.f32 v8, v4;
	[tilespmem:s25+$0x8010] =	vst v10;
	v10 =	vmul.f32 v20, v0  }
0xad: {  	v8 =	vadd.f32 v14, v13;
	[tilespmem:s25+$0x30] =	vst v2;
	v2 =	vmul.f32 v9, v1;
	v9 =	vmul.f32 v12, v0  }
0xae: {  	[tilespmem:s25+$0x20] =	vst v4;
	v4 =	vmul.f32 v6, v1;
	v6 =	vmul.f32 v18, v0;
	v5 =	vadd.f32 v5, v10  }
0xaf: {  	[tilespmem:s25+$0x70] =	vst v8;
	v2 =	vadd.f32 v9, v2  }
0xb0: {  	v3 =	vadd.f32 v6, v4;
	[tilespmem:s25+$0x10] =	vst v5  }
0xb1: {  	[tilespmem:s25+$0x8030] =	vst v2  }
0xb2: {  	s31 =	simm.s32 $0x0;
	[tilespmem:s25+$0x8070] =	vst v3  }
0xb3: {  	[hbm4b:s10+s31] =	stream.linear.scatter [tilespmem:s31], [sflag:$0x1], $0x8000, $0x38;
	[tilespmem:$0x10100] =	vst v63  }
0xb4: {  	_ =	swait.ge [sflag:s22], $0x8000  }
0xb5: {  	[sflag:s22] =	ssyncset.done $0x0  }
0xb6: {  	[sflag:s22] =	ssyncadd.s32 $0xFFFF8000  }
0xb7: {  	[hbm4b:s11+s31] =	stream.linear.scatter [tilespmem:s23], [sflag:$0x1], $0x8000, $0x38;
	[tilespmem:$0x10100] =	vst v63  }
0xb8: {  	_ =	swait.ge [sflag:s22], $0x8000  }
0xb9: {  	[sflag:s22] =	ssyncset.done $0x0  }
0xba: {  	[sflag:s22] =	ssyncadd.s32 $0xFFFF8000  }
0xbb: {  	[tilespmem:s31], [sflag:$0x1] =	stream.linear.gather [hbm4b:s12+s31], $0x8000, $0x38;
	[tilespmem:$0x10100] =	vst v63  }
0xbc: {  	_ =	swait.ge [sflag:s22], $0x8000  }
0xbd: {  	[sflag:s22] =	ssyncset.done $0x0  }
0xbe: {  	[sflag:s22] =	ssyncadd.s32 $0xFFFF8000  }
0xbf: {  	[tilespmem:s23], [sflag:$0x1] =	stream.linear.gather [hbm4b:s13+s31], $0x8000, $0x38;
	[tilespmem:$0x10100] =	vst v63  }
0xc0: {  	_ =	swait.ge [sflag:s22], $0x8000  }
0xc1: {  	[sflag:s22] =	ssyncset.done $0x0  }
0xc2: {  	s26 =	simm.s32 $0x0;
	[sflag:s22] =	ssyncadd.s32 $0xFFFF8000  }
0xc3: {  	v3 =	vld [tilespmem:s26+$0x50]  }
0xc4: {  	v2 =	vld [tilespmem:s26+$0x8060]  }
0xc5: {  	v5 =	vld [tilespmem:s26+$0x60]  }
0xc6: {  	v4 =	vld [tilespmem:s26+$0x8000]  }
0xc7: {  	v6 =	vld [tilespmem:s26+$0x8050]  }
0xc8: {  	v7 =	vld [tilespmem:s26+$0x8020]  }
0xc9: {  	v8 =	vld [tilespmem:s26+$0x0]  }
0xca: {  	v9 =	vld [tilespmem:s26+$0x40];
	v11 =	vmul.f32 v2, v0;
	v12 =	vmul.f32 v5, v1  }
0xcb: {  	v10 =	vld [tilespmem:s26+$0x8010]  }
0xcc: {  	v19 =	vld [tilespmem:s26+$0x8030];
	v15 =	vmul.f32 v3, v0;
	v16 =	vmul.f32 v6, v1;
	v11 =	vadd.f32 v11, v12  }
0xcd: {  	v13 =	vld [tilespmem:s26+$0x30]  }
0xce: {  	v18 =	vmul.f32 v8, v1;
	v5 =	vmul.f32 v5, v0;
	v12 =	vld [tilespmem:s26+$0x70];
	[tilespmem:s26+$0x8060] =	vst v11;
	v11 =	vadd.f32 v16, v15  }
0xcf: {  	v14 =	vld [tilespmem:s26+$0x20];
	v6 =	vmul.f32 v6, v0;
	v16 =	vmul.f32 v4, v0  }
0xd0: {  	v3 =	vmul.f32 v3, v1;
	v15 =	vld [tilespmem:s26+$0x10];
	[tilespmem:s26+$0x50] =	vst v11;
	v11 =	vmul.f32 v2, v1  }
0xd1: {  	v17 =	vld [tilespmem:s26+$0x8040];
	v23 =	vmul.f32 v19, v1;
	v62 =	vmul.f32 v10, v1;
	v16 =	vadd.f32 v16, v18  }
0xd2: {  	s25 =	simm.s32 $0x80;
	v3 =	vadd.f32 v6, v3;
	v6 =	vmul.f32 v8, v0;
	v18 =	vld [tilespmem:s26+$0x8070];
	v5 =	vadd.f32 v11, v5  }
0xd3: {  	v4 =	vmul.f32 v4, v1;
	v2 =	vld [tilespmem:s25+$0x50];
	v63 =	vmul.f32 v12, v1;
	[tilespmem:s26+$0x8000] =	vst v16  }
0xd4: {  	v16 =	vmul.f32 v7, v0;
	v11 =	vld [tilespmem:s25+$0x8060];
	[tilespmem:s26+$0x60] =	vst v5;
	v5 =	vmul.f32 v14, v1  }
0xd5: {  	v7 =	vmul.f32 v7, v1;
	v22 =	vmul.f32 v15, v1  }
0xd6: {  	v24 =	vmul.f32 v15, v0;
	v14 =	vmul.f32 v14, v0;
	v20 =	vld [tilespmem:s25+$0x8000];
	v5 =	vadd.f32 v16, v5  }
0xd7: {  	v6 =	vadd.f32 v4, v6;
	v21 =	vld [tilespmem:s25+$0x60];
	[tilespmem:s26+$0x8050] =	vst v3;
	v3 =	vmul.f32 v9, v0;
	v16 =	vmul.f32 v17, v1  }
0xd8: {  	v26 =	vmul.f32 v18, v0;
	v8 =	vld [tilespmem:s25+$0x8050];
	[tilespmem:s26+$0x8020] =	vst v5;
	v5 =	vmul.f32 v10, v0  }
0xd9: {  	v7 =	vadd.f32 v7, v14;
	v3 =	vadd.f32 v16, v3;
	v4 =	vld [tilespmem:s25+$0x8020];
	[tilespmem:s26+$0x0] =	vst v6;
	v6 =	vmul.f32 v13, v0  }
0xda: {  	v14 =	vmul.f32 v19, v0;
	v17 =	vmul.f32 v17, v0;
	v5 =	vadd.f32 v5, v22  }
0xdb: {  	v10 =	vmul.f32 v12, v0;
	v12 =	vmul.f32 v18, v1;
	v16 =	vld [tilespmem:s25+$0x0];
	[tilespmem:s26+$0x40] =	vst v3;
	v6 =	vadd.f32 v23, v6  }
0xdc: {  	v19 =	vmul.f32 v11, v1;
	v18 =	vmul.f32 v2, v0;
	v3 =	vld [tilespmem:s25+$0x40];
	[tilespmem:s26+$0x8010] =	vst v5  }
0xdd: {  	v13 =	vmul.f32 v13, v1;
	v5 =	vld [tilespmem:s25+$0x8010];
	[tilespmem:s26+$0x30] =	vst v6;
	v6 =	vmul.f32 v9, v1  }
0xde: {  	v12 =	vadd.f32 v12, v10;
	v25 =	vmul.f32 v21, v1;
	v9 =	vld [tilespmem:s25+$0x30];
	[tilespmem:s26+$0x20] =	vst v7;
	v7 =	vmul.f32 v11, v0  }
0xdf: {  	v15 =	vmul.f32 v20, v0;
	v21 =	vmul.f32 v21, v0;
	v17 =	vadd.f32 v17, v6  }
0xe0: {  	v22 =	vadd.f32 v62, v24;
	v27 =	vmul.f32 v8, v1;
	v10 =	vld [tilespmem:s25+$0x20];
	[tilespmem:s26+$0x70] =	vst v12;
	v25 =	vadd.f32 v7, v25  }
0xe1: {  	v11 =	vmul.f32 v8, v0;
	v8 =	vmul.f32 v4, v1;
	v12 =	vadd.f32 v14, v13;
	v6 =	vld [tilespmem:s25+$0x70];
	[tilespmem:s26+$0x8040] =	vst v17  }
0xe2: {  	v13 =	vmul.f32 v16, v0;
	v14 =	vmul.f32 v20, v1;
	v17 =	vadd.f32 v27, v18;
	v7 =	vld [tilespmem:s25+$0x8040];
	[tilespmem:s25+$0x8060] =	vst v25  }
0xe3: {  	s28 =	simm.s32 $0x400;
	v18 =	vmul.f32 v16, v1;
	v16 =	vadd.f32 v19, v21;
	v19 =	vadd.f32 v26, v63;
	[tilespmem:s26+$0x10] =	vst v22  }
.LBB2_6:
0xe4: {  	s29 =	sshra.s32 s28, $0x2;
	p0 =	sne.s32 s28, $0x1FE00;
	s28 =	sadd.s32 $0x200, s28;
	v20 =	vld [tilespmem:s25+$0x10];
	v21 =	vmul.f32 v5, v0;
	v22 =	vmul.f32 v2, v1;
	[tilespmem:s26+$0x8030] =	vst v12  }
0xe5: {  	v12 =	vadd.f32 v15, v18;
	v15 =	vld [tilespmem:s25+$0x8030];
	v18 =	vmul.f32 v9, v0;
	v9 =	vmul.f32 v9, v1;
	[tilespmem:s26+$0x8070] =	vst v19;
	s26 =	smov.u32 s25;
	s25 =	smov.u32 s29  }
0xe6: {  	v23 =	vmul.f32 v3, v0;
	v19 =	vmul.f32 v10, v1;
	[tilespmem:s26+$0x50] =	vst v17;
	v17 =	vld [tilespmem:s26+$0x8070]  }
0xe7: {  	v13 =	vadd.f32 v14, v13;
	v4 =	vmul.f32 v4, v0;
	v2 =	vld [tilespmem:s25+$0x50];
	[tilespmem:s26+$0x8000] =	vst v12;
	v12 =	vmul.f32 v7, v1  }
0xe8: {  	v24 =	vmul.f32 v5, v1;
	v5 =	vadd.f32 v11, v22;
	v22 =	vmul.f32 v6, v1;
	v14 =	vld [tilespmem:s25+$0x8060];
	[tilespmem:s26+$0x60] =	vst v16  }
0xe9: {  	v4 =	vadd.f32 v4, v19;
	v19 =	vmul.f32 v3, v1;
	v16 =	vld [tilespmem:s25+$0x8000];
	v11 =	vmul.f32 v20, v1  }
0xea: {  	v3 =	vmul.f32 v10, v0;
	v12 =	vadd.f32 v12, v23;
	v25 =	vld [tilespmem:s25+$0x60];
	v10 =	vmul.f32 v15, v1;
	[tilespmem:s26+$0x8050] =	vst v5  }
0xeb: {  	v6 =	vmul.f32 v6, v0;
	v23 =	vld [tilespmem:s25+$0x8050];
	v5 =	vadd.f32 v21, v11;
	[tilespmem:s26+$0x8020] =	vst v4;
	v11 =	vmul.f32 v17, v1  }
0xec: {  	v8 =	vadd.f32 v8, v3;
	v4 =	vld [tilespmem:s25+$0x8020];
	[tilespmem:s26+$0x0] =	vst v13;
	v10 =	vadd.f32 v10, v18;
	v13 =	vmul.f32 v15, v0  }
0xed: {  	v18 =	vld [tilespmem:s25+$0x0];
	v21 =	vmul.f32 v14, v1;
	v14 =	vmul.f32 v14, v0;
	[tilespmem:s26+$0x40] =	vst v12;
	v6 =	vadd.f32 v11, v6  }
0xee: {  	v7 =	vmul.f32 v7, v0;
	v20 =	vmul.f32 v20, v0;
	v3 =	vld [tilespmem:s25+$0x40];
	[tilespmem:s26+$0x8010] =	vst v5  }
0xef: {  	v27 =	vmul.f32 v17, v0;
	v12 =	vadd.f32 v13, v9;
	v5 =	vld [tilespmem:s25+$0x8010];
	v26 =	vmul.f32 v25, v1;
	[tilespmem:s26+$0x30] =	vst v10  }
.Ltmp2:
0xf0: {  	v7 =	vadd.f32 v7, v19;
	v17 =	vmul.f32 v2, v0;
	v9 =	vld [tilespmem:s25+$0x30];
	v11 =	vmul.f32 v23, v0;
	[tilespmem:s26+$0x20] =	vst v8;
	(pc) =	sbr.rel @p0 .LBB2_6-.Ltmp2, $4  }
0xf1: {  	v15 =	vmul.f32 v16, v0;
	v19 =	vmul.f32 v23, v1;
	v10 =	vld [tilespmem:s25+$0x20];
	v23 =	vadd.f32 v14, v26;
	[tilespmem:s26+$0x70] =	vst v6  }
0xf2: {  	v20 =	vadd.f32 v24, v20;
	v25 =	vmul.f32 v25, v0;
	v8 =	vmul.f32 v4, v1;
	v6 =	vld [tilespmem:s25+$0x70];
	[tilespmem:s26+$0x8040] =	vst v7  }
0xf3: {  	v14 =	vmul.f32 v16, v1;
	v13 =	vmul.f32 v18, v0;
	v17 =	vadd.f32 v19, v17;
	v7 =	vld [tilespmem:s25+$0x8040];
	[tilespmem:s25+$0x8060] =	vst v23  }
0xf4: {  	v16 =	vadd.f32 v21, v25;
	v18 =	vmul.f32 v18, v1;
	v19 =	vadd.f32 v27, v22;
	[tilespmem:s26+$0x10] =	vst v20  }
0xf5: {  	v20 =	vld [tilespmem:s25+$0x10];
	[tilespmem:s26+$0x8030] =	vst v12  }
0xf6: {  	v12 =	vld [tilespmem:s25+$0x8030];
	[tilespmem:s26+$0x8070] =	vst v19  }
0xf7: {  	v2 =	vmul.f32 v2, v1;
	v15 =	vadd.f32 v15, v18;
	[tilespmem:s25+$0x50] =	vst v17  }
0xf8: {  	v4 =	vmul.f32 v4, v0;
	v13 =	vadd.f32 v14, v13;
	v17 =	vmul.f32 v10, v1;
	[tilespmem:s25+$0x60] =	vst v16  }
0xf9: {  	v18 =	vld [tilespmem:s25+$0x8070];
	v2 =	vadd.f32 v11, v2;
	v11 =	vmul.f32 v3, v0;
	[tilespmem:s25+$0x8000] =	vst v15;
	v15 =	vmul.f32 v7, v1  }
0xfa: {  	[tilespmem:s25+$0x0] =	vst v13;
	v3 =	vmul.f32 v3, v1;
	v7 =	vmul.f32 v7, v0;
	v4 =	vadd.f32 v4, v17  }
0xfb: {  	v16 =	vmul.f32 v5, v0;
	[tilespmem:s25+$0x8050] =	vst v2;
	v14 =	vmul.f32 v20, v1;
	v11 =	vadd.f32 v15, v11  }
0xfc: {  	v2 =	vmul.f32 v9, v0;
	v3 =	vadd.f32 v7, v3;
	v17 =	vmul.f32 v12, v1;
	[tilespmem:s25+$0x8020] =	vst v4  }
0xfd: {  	v4 =	vmul.f32 v10, v0;
	v10 =	vadd.f32 v16, v14;
	[tilespmem:s25+$0x40] =	vst v11  }
0xfe: {  	v13 =	vmul.f32 v6, v0;
	v14 =	vmul.f32 v18, v1;
	[tilespmem:s25+$0x8040] =	vst v3;
	v2 =	vadd.f32 v17, v2  }
0xff: {  	v5 =	vmul.f32 v5, v1;
	v4 =	vadd.f32 v8, v4;
	[tilespmem:s25+$0x8010] =	vst v10;
	v10 =	vmul.f32 v20, v0  }
0x100: {  	v8 =	vadd.f32 v14, v13;
	[tilespmem:s25+$0x30] =	vst v2;
	v2 =	vmul.f32 v9, v1;
	v9 =	vmul.f32 v12, v0  }
0x101: {  	[tilespmem:s25+$0x20] =	vst v4;
	v4 =	vmul.f32 v6, v1;
	v6 =	vmul.f32 v18, v0;
	v5 =	vadd.f32 v5, v10  }
0x102: {  	[tilespmem:s25+$0x70] =	vst v8;
	v2 =	vadd.f32 v9, v2  }
0x103: {  	v3 =	vadd.f32 v6, v4;
	[tilespmem:s25+$0x10] =	vst v5  }
0x104: {  	[tilespmem:s25+$0x8030] =	vst v2  }
0x105: {  	s31 =	simm.s32 $0x0;
	[tilespmem:s25+$0x8070] =	vst v3  }
0x106: {  	[hbm4b:s14+s31] =	stream.linear.scatter [tilespmem:s31], [sflag:$0x1], $0x8000, $0x38;
	[tilespmem:$0x10100] =	vst v63  }
0x107: {  	_ =	swait.ge [sflag:s22], $0x8000  }
0x108: {  	[sflag:s22] =	ssyncset.done $0x0  }
0x109: {  	[sflag:s22] =	ssyncadd.s32 $0xFFFF8000  }
0x10a: {  	[hbm4b:s15+s31] =	stream.linear.scatter [tilespmem:s23], [sflag:$0x1], $0x8000, $0x38;
	[tilespmem:$0x10100] =	vst v63  }
0x10b: {  	_ =	swait.ge [sflag:s22], $0x8000  }
0x10c: {  	[sflag:s22] =	ssyncset.done $0x0  }
0x10d: {  	[sflag:s22] =	ssyncadd.s32 $0xFFFF8000  }
0x10e: {  	[tilespmem:s31], [sflag:$0x1] =	stream.linear.gather [hbm4b:s16+s31], $0x8000, $0x38;
	[tilespmem:$0x10100] =	vst v63  }
0x10f: {  	_ =	swait.ge [sflag:s22], $0x8000  }
0x110: {  	[sflag:s22] =	ssyncset.done $0x0  }
0x111: {  	[sflag:s22] =	ssyncadd.s32 $0xFFFF8000  }
0x112: {  	[tilespmem:s23], [sflag:$0x1] =	stream.linear.gather [hbm4b:s17+s31], $0x8000, $0x38;
	[tilespmem:$0x10100] =	vst v63  }
0x113: {  	_ =	swait.ge [sflag:s22], $0x8000  }
0x114: {  	[sflag:s22] =	ssyncset.done $0x0  }
0x115: {  	s26 =	simm.s32 $0x0;
	[sflag:s22] =	ssyncadd.s32 $0xFFFF8000  }
0x116: {  	v3 =	vld [tilespmem:s26+$0x50]  }
0x117: {  	v2 =	vld [tilespmem:s26+$0x8060]  }
0x118: {  	v5 =	vld [tilespmem:s26+$0x60]  }
0x119: {  	v4 =	vld [tilespmem:s26+$0x8000]  }
0x11a: {  	v6 =	vld [tilespmem:s26+$0x8050]  }
0x11b: {  	v7 =	vld [tilespmem:s26+$0x8020]  }
0x11c: {  	v8 =	vld [tilespmem:s26+$0x0]  }
0x11d: {  	v9 =	vld [tilespmem:s26+$0x40];
	v11 =	vmul.f32 v2, v0;
	v12 =	vmul.f32 v5, v1  }
0x11e: {  	v10 =	vld [tilespmem:s26+$0x8010]  }
0x11f: {  	v19 =	vld [tilespmem:s26+$0x8030];
	v15 =	vmul.f32 v3, v0;
	v16 =	vmul.f32 v6, v1;
	v11 =	vadd.f32 v11, v12  }
0x120: {  	v13 =	vld [tilespmem:s26+$0x30]  }
0x121: {  	v18 =	vmul.f32 v8, v1;
	v5 =	vmul.f32 v5, v0;
	v12 =	vld [tilespmem:s26+$0x70];
	[tilespmem:s26+$0x8060] =	vst v11;
	v11 =	vadd.f32 v16, v15  }
0x122: {  	v14 =	vld [tilespmem:s26+$0x20];
	v6 =	vmul.f32 v6, v0;
	v16 =	vmul.f32 v4, v0  }
0x123: {  	v3 =	vmul.f32 v3, v1;
	v15 =	vld [tilespmem:s26+$0x10];
	[tilespmem:s26+$0x50] =	vst v11;
	v11 =	vmul.f32 v2, v1  }
0x124: {  	v17 =	vld [tilespmem:s26+$0x8040];
	v23 =	vmul.f32 v19, v1;
	v62 =	vmul.f32 v10, v1;
	v16 =	vadd.f32 v16, v18  }
0x125: {  	s25 =	simm.s32 $0x80;
	v3 =	vadd.f32 v6, v3;
	v6 =	vmul.f32 v8, v0;
	v18 =	vld [tilespmem:s26+$0x8070];
	v5 =	vadd.f32 v11, v5  }
0x126: {  	v4 =	vmul.f32 v4, v1;
	v2 =	vld [tilespmem:s25+$0x50];
	v63 =	vmul.f32 v12, v1;
	[tilespmem:s26+$0x8000] =	vst v16  }
0x127: {  	v16 =	vmul.f32 v7, v0;
	v11 =	vld [tilespmem:s25+$0x8060];
	[tilespmem:s26+$0x60] =	vst v5;
	v5 =	vmul.f32 v14, v1  }
0x128: {  	v7 =	vmul.f32 v7, v1;
	v22 =	vmul.f32 v15, v1  }
0x129: {  	v24 =	vmul.f32 v15, v0;
	v14 =	vmul.f32 v14, v0;
	v20 =	vld [tilespmem:s25+$0x8000];
	v5 =	vadd.f32 v16, v5  }
0x12a: {  	v6 =	vadd.f32 v4, v6;
	v21 =	vld [tilespmem:s25+$0x60];
	[tilespmem:s26+$0x8050] =	vst v3;
	v3 =	vmul.f32 v9, v0;
	v16 =	vmul.f32 v17, v1  }
0x12b: {  	v26 =	vmul.f32 v18, v0;
	v8 =	vld [tilespmem:s25+$0x8050];
	[tilespmem:s26+$0x8020] =	vst v5;
	v5 =	vmul.f32 v10, v0  }
0x12c: {  	v7 =	vadd.f32 v7, v14;
	v3 =	vadd.f32 v16, v3;
	v4 =	vld [tilespmem:s25+$0x8020];
	[tilespmem:s26+$0x0] =	vst v6;
	v6 =	vmul.f32 v13, v0  }
0x12d: {  	v14 =	vmul.f32 v19, v0;
	v17 =	vmul.f32 v17, v0;
	v5 =	vadd.f32 v5, v22  }
0x12e: {  	v10 =	vmul.f32 v12, v0;
	v12 =	vmul.f32 v18, v1;
	v16 =	vld [tilespmem:s25+$0x0];
	[tilespmem:s26+$0x40] =	vst v3;
	v6 =	vadd.f32 v23, v6  }
0x12f: {  	v19 =	vmul.f32 v11, v1;
	v18 =	vmul.f32 v2, v0;
	v3 =	vld [tilespmem:s25+$0x40];
	[tilespmem:s26+$0x8010] =	vst v5  }
0x130: {  	v13 =	vmul.f32 v13, v1;
	v5 =	vld [tilespmem:s25+$0x8010];
	[tilespmem:s26+$0x30] =	vst v6;
	v6 =	vmul.f32 v9, v1  }
0x131: {  	v12 =	vadd.f32 v12, v10;
	v25 =	vmul.f32 v21, v1;
	v9 =	vld [tilespmem:s25+$0x30];
	[tilespmem:s26+$0x20] =	vst v7;
	v7 =	vmul.f32 v11, v0  }
0x132: {  	v15 =	vmul.f32 v20, v0;
	v21 =	vmul.f32 v21, v0;
	v17 =	vadd.f32 v17, v6  }
0x133: {  	v22 =	vadd.f32 v62, v24;
	v27 =	vmul.f32 v8, v1;
	v10 =	vld [tilespmem:s25+$0x20];
	[tilespmem:s26+$0x70] =	vst v12;
	v25 =	vadd.f32 v7, v25  }
0x134: {  	v11 =	vmul.f32 v8, v0;
	v8 =	vmul.f32 v4, v1;
	v12 =	vadd.f32 v14, v13;
	v6 =	vld [tilespmem:s25+$0x70];
	[tilespmem:s26+$0x8040] =	vst v17  }
0x135: {  	v13 =	vmul.f32 v16, v0;
	v14 =	vmul.f32 v20, v1;
	v17 =	vadd.f32 v27, v18;
	v7 =	vld [tilespmem:s25+$0x8040];
	[tilespmem:s25+$0x8060] =	vst v25  }
0x136: {  	s28 =	simm.s32 $0x400;
	v18 =	vmul.f32 v16, v1;
	v16 =	vadd.f32 v19, v21;
	v19 =	vadd.f32 v26, v63;
	[tilespmem:s26+$0x10] =	vst v22  }
.LBB2_8:
0x137: {  	s29 =	sshra.s32 s28, $0x2;
	p0 =	sne.s32 s28, $0x1FE00;
	s28 =	sadd.s32 $0x200, s28;
	v20 =	vld [tilespmem:s25+$0x10];
	v21 =	vmul.f32 v5, v0;
	v22 =	vmul.f32 v2, v1;
	[tilespmem:s26+$0x8030] =	vst v12  }
0x138: {  	v12 =	vadd.f32 v15, v18;
	v15 =	vld [tilespmem:s25+$0x8030];
	v18 =	vmul.f32 v9, v0;
	v9 =	vmul.f32 v9, v1;
	[tilespmem:s26+$0x8070] =	vst v19;
	s26 =	smov.u32 s25;
	s25 =	smov.u32 s29  }
0x139: {  	v23 =	vmul.f32 v3, v0;
	v19 =	vmul.f32 v10, v1;
	[tilespmem:s26+$0x50] =	vst v17;
	v17 =	vld [tilespmem:s26+$0x8070]  }
0x13a: {  	v13 =	vadd.f32 v14, v13;
	v4 =	vmul.f32 v4, v0;
	v2 =	vld [tilespmem:s25+$0x50];
	[tilespmem:s26+$0x8000] =	vst v12;
	v12 =	vmul.f32 v7, v1  }
0x13b: {  	v24 =	vmul.f32 v5, v1;
	v5 =	vadd.f32 v11, v22;
	v22 =	vmul.f32 v6, v1;
	v14 =	vld [tilespmem:s25+$0x8060];
	[tilespmem:s26+$0x60] =	vst v16  }
0x13c: {  	v4 =	vadd.f32 v4, v19;
	v19 =	vmul.f32 v3, v1;
	v16 =	vld [tilespmem:s25+$0x8000];
	v11 =	vmul.f32 v20, v1  }
0x13d: {  	v3 =	vmul.f32 v10, v0;
	v12 =	vadd.f32 v12, v23;
	v25 =	vld [tilespmem:s25+$0x60];
	v10 =	vmul.f32 v15, v1;
	[tilespmem:s26+$0x8050] =	vst v5  }
0x13e: {  	v6 =	vmul.f32 v6, v0;
	v23 =	vld [tilespmem:s25+$0x8050];
	v5 =	vadd.f32 v21, v11;
	[tilespmem:s26+$0x8020] =	vst v4;
	v11 =	vmul.f32 v17, v1  }
0x13f: {  	v8 =	vadd.f32 v8, v3;
	v4 =	vld [tilespmem:s25+$0x8020];
	[tilespmem:s26+$0x0] =	vst v13;
	v10 =	vadd.f32 v10, v18;
	v13 =	vmul.f32 v15, v0  }
0x140: {  	v18 =	vld [tilespmem:s25+$0x0];
	v21 =	vmul.f32 v14, v1;
	v14 =	vmul.f32 v14, v0;
	[tilespmem:s26+$0x40] =	vst v12;
	v6 =	vadd.f32 v11, v6  }
0x141: {  	v7 =	vmul.f32 v7, v0;
	v20 =	vmul.f32 v20, v0;
	v3 =	vld [tilespmem:s25+$0x40];
	[tilespmem:s26+$0x8010] =	vst v5  }
0x142: {  	v27 =	vmul.f32 v17, v0;
	v12 =	vadd.f32 v13, v9;
	v5 =	vld [tilespmem:s25+$0x8010];
	v26 =	vmul.f32 v25, v1;
	[tilespmem:s26+$0x30] =	vst v10  }
.Ltmp3:
0x143: {  	v7 =	vadd.f32 v7, v19;
	v17 =	vmul.f32 v2, v0;
	v9 =	vld [tilespmem:s25+$0x30];
	v11 =	vmul.f32 v23, v0;
	[tilespmem:s26+$0x20] =	vst v8;
	(pc) =	sbr.rel @p0 .LBB2_8-.Ltmp3, $4  }
0x144: {  	v15 =	vmul.f32 v16, v0;
	v19 =	vmul.f32 v23, v1;
	v10 =	vld [tilespmem:s25+$0x20];
	v23 =	vadd.f32 v14, v26;
	[tilespmem:s26+$0x70] =	vst v6  }
0x145: {  	v20 =	vadd.f32 v24, v20;
	v25 =	vmul.f32 v25, v0;
	v8 =	vmul.f32 v4, v1;
	v6 =	vld [tilespmem:s25+$0x70];
	[tilespmem:s26+$0x8040] =	vst v7  }
0x146: {  	v14 =	vmul.f32 v16, v1;
	v13 =	vmul.f32 v18, v0;
	v17 =	vadd.f32 v19, v17;
	v7 =	vld [tilespmem:s25+$0x8040];
	[tilespmem:s25+$0x8060] =	vst v23  }
0x147: {  	v16 =	vadd.f32 v21, v25;
	v18 =	vmul.f32 v18, v1;
	v19 =	vadd.f32 v27, v22;
	[tilespmem:s26+$0x10] =	vst v20  }
0x148: {  	v20 =	vld [tilespmem:s25+$0x10];
	[tilespmem:s26+$0x8030] =	vst v12  }
0x149: {  	v12 =	vld [tilespmem:s25+$0x8030];
	[tilespmem:s26+$0x8070] =	vst v19  }
0x14a: {  	v2 =	vmul.f32 v2, v1;
	v13 =	vadd.f32 v14, v13;
	[tilespmem:s25+$0x50] =	vst v17  }
0x14b: {  	v4 =	vmul.f32 v4, v0;
	v15 =	vadd.f32 v15, v18;
	v42 =	vmul.f32 v10, v1;
	[tilespmem:s25+$0x60] =	vst v16  }
0x14c: {  	v44 =	vmul.f32 v3, v0;
	v2 =	vadd.f32 v11, v2;
	[tilespmem:s25+$0x0] =	vst v13;
	v45 =	vmul.f32 v7, v1  }
0x14d: {  	v50 =	vmul.f32 v10, v0;
	v43 =	vld [tilespmem:s25+$0x8070];
	[tilespmem:s25+$0x8000] =	vst v15;
	v4 =	vadd.f32 v4, v42  }
0x14e: {  	v54 =	vmul.f32 v3, v1;
	v55 =	vmul.f32 v7, v0;
	[tilespmem:s25+$0x8050] =	vst v2;
	v11 =	vadd.f32 v45, v44  }
0x14f: {  	v46 =	vmul.f32 v5, v0;
	v47 =	vmul.f32 v20, v1;
	[tilespmem:s25+$0x8020] =	vst v4;
	v4 =	vadd.f32 v8, v50  }
0x150: {  	v56 =	vmul.f32 v5, v1;
	v58 =	vmul.f32 v20, v0;
	v3 =	vadd.f32 v55, v54;
	[tilespmem:s25+$0x40] =	vst v11  }
0x151: {  	v48 =	vmul.f32 v9, v0;
	v49 =	vmul.f32 v12, v1;
	v51 =	vadd.f32 v46, v47;
	[tilespmem:s25+$0x20] =	vst v4  }
0x152: {  	v52 =	vmul.f32 v6, v0;
	v53 =	vmul.f32 v43, v1;
	v63 =	vadd.f32 v56, v58;
	[tilespmem:s25+$0x8040] =	vst v3  }
0x153: {  	v61 =	vmul.f32 v6, v1;
	v62 =	vmul.f32 v43, v0;
	v2 =	vadd.f32 v49, v48;
	[tilespmem:s25+$0x8010] =	vst v51  }
0x154: {  	v59 =	vmul.f32 v9, v1;
	v60 =	vmul.f32 v12, v0;
	v57 =	vadd.f32 v53, v52;
	[tilespmem:s25+$0x10] =	vst v63  }
0x155: {  	v0 =	vadd.f32 v62, v61;
	[tilespmem:s25+$0x30] =	vst v2  }
0x156: {  	v2 =	vadd.f32 v60, v59;
	[tilespmem:s25+$0x70] =	vst v57  }
0x157: {  	[tilespmem:s25+$0x8070] =	vst v0  }
0x158: {  	[tilespmem:s25+$0x8030] =	vst v2  }
0x159: {  	[hbm4b:s18+s2] =	stream.linear.scatter [tilespmem:s2], [sflag:$0x1], $0x8000, $0x38;
	[tilespmem:$0x10100] =	vst v63  }
0x15a: {  	s24 =	sadd.s32 $0x1, s24;
	_ =	swait.ge [sflag:s22], $0x8000  }
0x15b: {  	p0 =	sne.s32 s24, s20;
	[sflag:s22] =	ssyncset.done $0x0  }
.Ltmp4:
0x15c: {  	[sflag:s22] =	ssyncadd.s32 $0xFFFF8000;
	(pc) =	sbr.rel @p0 .LBB2_1-.Ltmp4, $4  }
0x15d: {  	[hbm4b:s19+s2] =	stream.linear.scatter [tilespmem:s23], [sflag:$0x1], $0x8000, $0x38;
	[tilespmem:$0x10100] =	vst v63  }
0x15e: {  	_ =	swait.ge [sflag:s22], $0x8000  }
0x15f: {  	[sflag:s22] =	ssyncset.done $0x0  }
0x160: {  	[sflag:s22] =	ssyncadd.s32 $0xFFFF8000  }
0x161: {  	_ =	sfence.sel $0x180000  }
0x162: {  	[bflag:$0x0] =	sbarrier.arrive $0xFFFF  }
0x163: {  	p0 =	sne.s32 s1, $0x0;
	_ =	strace $0x9000004A  }
0x164: {  	s0 =	sadd.s32 @!p0 $0x100000, s0;
	[bflag:$0x2] =	sbarrier.arrive $0xFFFF  }
0x165: {  	[sflag:s0] =	ssyncadd.tile.s32 @!p0 $0x1;
	_ =	shalt  }
.Lfunc_end2:
_tile_overlayer_lowered:
.L_overlay_start_2:
0x166: {  	(tag) =	ssettag $0x2  }
0x167: {  	s0 =	rddreg [dreg:$0x0];
	s2 =	stileid.u32  }
0x168: {  	s1 =	rddreg [dreg:$0x1];
	p0 =	sne.s32 s2, $0x0  }
0x169: {  	s3 =	rddreg [dreg:$0x2];
	[bflag:$0x3] =	sbarrier.arrive $0xFFFF;
	s2 =	simm.s32 @!p0 $0x1C01  }
0x16a: {  	[timem:s3], [sflag:s2] =	dma.local @!p0 [hbm:s0], s1  }
0x16b: {  	s0 =	simm.s32 @!p0 $0x1  }
0x16c: {  	_ =	swait.ge @!p0 [sflag:s0], s1  }
0x16d: {  	s1 =	ssub.s32 @!p0 $0x0, s1;
	[sflag:s0] =	ssyncset.done @!p0 $0x0  }
0x16e: {  	[sflag:s0] =	ssyncadd.s32 @!p0 s1  }
0x16f: {  	[bflag:$0x3] =	sbarrier.arrive $0xFFFF  }
0x170: {  	_ =	shalt  }

// kernel: sparse-core-data-format-call.cloned.1.call-start
scs
called_computation_lowered:
.L_overlay_start_0:
0x0: {  	s2 =	sld [smem:$0x3FD9]  }
0x1: {  	s3 =	sld [smem:$0x3FFE];
	_ =	sdelay $0x1  }
0x2: {  	s1 =	srdreg.scid  }
0x3: {  	s0 =	sand.u32 $0x1, s1  }
0x4: {  	s19 =	sshll.u32 s0, $0xA;
	s2 =	sadd.s32 s3, s2  }
0x5: {  	s2 =	sadd.s32 s2, s19  }
0x6: {  	[smem:$0x3FC6] =	sst s2  }
0x7: {  	_ = 	snop  }
0x8: {  	s2 =	sld [smem:$0x3FC9]  }
0x9: {  	s20 =	sld [smem:$0x3FD0];
	(tm) =	ssettm $0x1  }
0xa: {  	s4 =	sld [smem:$0x3FFB];
	_ =	sdelay $0x3  }
0xb: {  	_ =	strace s4  }
0xc: {  	s4 =	sld [smem:$0x3FFC];
	_ =	sdelay $0x3  }
0xd: {  	_ =	strace s4  }
0xe: {  	s4 =	sld [smem:$0x3FFD];
	_ =	sdelay $0x3  }
0xf: {  	_ =	strace s4  }
0x10: {  	_ =	strace $0x8FFFFFFF  }
0x11: {  	s21 =	sld [smem:$0x3FDB];
	_ =	sdelay $0x1  }
0x12: {  	s5 =	simm.s32 $_scs_section_size  }
0x13: {  	s6 =	simm.s32 $_size__tile_overlayer_lowered;
	s7 =	simm.s32 $_tile_overlayer_lowered  }
0x14: {  	s24 =	simm.s32 $0x1BFF;
	s23 =	sshll.u32 s7, $0x1;
	s4 =	sadd.s32 s5, s21  }
0x15: {  	s8 =	simm.s32 $0x0;
	s22 =	sshll.u32 s6, $0x1;
	s6 =	sadd.s32 s23, s4  }
0x16: {  	[timem:s8], [sflag:s24] =	dma.local [hbm:s6], s22  }
0x17: {  	_ =	swait.ge [sflag:s24], s22  }
0x18: {  	s5 =	ssub.s32 $0x0, s22;
	[sflag:s24] =	ssyncset.done $0x0  }
0x19: {  	[sflag:s24] =	ssyncadd.s32 s5;
	_ =	sdelay $0x1  }
0x1a: {  	s25 =	simm.s32 $0x1B8B  }
0x1b: {  	_ =	swait.ge [sflag:s25], $0x1  }
0x1c: {  	[sflag:s25] =	ssyncset.done $0x0  }
0x1d: {  	s26 =	simm.s32 $0x1B8E;
	[sflag:s25] =	ssyncadd.s32 $0xFFFFFFFF  }
0x1e: {  	s27 =	simm.s32 $execute0_lowered;
	[smem:$0x3FD2] =	sst s26  }
0x1f: {  	s5 =	sshll.u32 s27, $0x1;
	_ =	strace $0x80000046;
	[dreg:$0x1] =	wrdreg $0xFFFFFFFF  }
0x20: {  	s28 =	simm.s32 $_size_execute0_lowered;
	s4 =	sadd.s32 s4, s5;
	[dreg:$0x0] =	wrdreg $0x0  }
0x21: {  	s5 =	sshll.u32 s28, $0x1;
	[dreg:$0x2] =	wrdreg s4  }
0x22: {  	[dreg:$0x3] =	wrdreg s5  }
0x23: {  	[dreg:$0x4] =	wrdreg $0xC0  }
0x24: {  	_ =	task [dreg:s8], $0x5FFFF  }
0x25: {  	[dreg:$0x1] =	wrdreg $0xFFFFFFFF  }
0x26: {  	[dreg:$0x0] =	wrdreg $0x60  }
0x27: {  	[dreg:$0x2] =	wrdreg s2  }
0x28: {  	[dreg:$0x3] =	wrdreg s20  }
0x29: {  	[dreg:$0x4] =	wrdreg $0x9  }
0x2a: {  	_ =	task.clear_ibuf [dreg:s8], $0x5FFFF;
	_ =	strace $0x90000046  }
0x2b: {  	s29 =	simm.s32 $0x9;
	_ =	strace $0x80000048  }
0x2c: {  	_ =	swait.ge [sflag:s29], $0x1  }
0x2d: {  	[sflag:s29] =	ssyncadd.s32 $0xFFFFFFFF  }
0x2e: {  	_ =	strace $0x90000048  }
0x2f: {  	_ =	sfence  }
0x30: {  	s30 =	sld [smem:$0x0];
	_ =	sdelay $0x2  }
0x31: {  	s31 =	sshll.u32 s1, $0xD;
	s1 =	sshrl.u32 s1, $0x2  }
0x32: {  	s3 =	sand.u32 $0x4000, s31;
	s1 =	sadd.s32 s1, s30  }
0x33: {  	s0 =	sor.u32 s3, s0;
	s1 =	sshll.u32 s1, $0x11  }
0x34: {  	s0 =	sor.u32 s1, s0  }
0x35: {  	s0 =	sadd.s32 $0x8F2B, s0  }
0x36: {  	[sflag:s0] =	ssyncadd.remote.s32 $0x1  }
0x37: {  	_ =	sfence.sel $0xFFFF  }
0x38: {  	[dreg:$0x0] =	wrdreg $0xFFFFFFFF;
	(pc) =	sbr.abs _section_cstart, $3  }
0x39: {  	[dreg:$0x1] =	wrdreg $0xFFFFFFFF  }
0x3a: {  	_ =	task.clear_ibuf [dreg:s8], $0x2FFFF;
	_ =	strace $0x9FFFFFFF  }
0x3b: {  	(tm) =	ssettm $0x7FFFFFFF  }
tec
execute0_lowered:
.L_overlay_start_1:
0x0: {  	(tag) =	ssettag $0x1  }
0x1: {  	s0 =	srdreg.scid  }
0x2: {  	s1 =	sshll.u32 s0, $0x4  }
0x3: {  	s2 =	rddreg [dreg:$0x0];
	s0 =	stileid.u32;
	s1 =	sand.u32 $0x10, s1  }
0x4: {  	s4 =	rddreg [dreg:$0x1];
	s1 =	sor.u32 s0, s1  }
0x5: {  	s7 =	simm.s32 $0x1;
	s8 =	simm.s32 $0x2;
	s3 =	sshll.u32 s1, $0x3  }
0x6: {  	s9 =	simm.s32 $0x0;
	s12 =	simm.s32 $0x0;
	s6 =	ssub.s32 $0x2000, s3  }
.Ltmp0:
0x7: {  	s11 =	simm.s32 $0x0;
	s5 =	sand.u32 $0xF8, s6;
	(pc) =	sbr.rel .LBB1_1-.Ltmp0, $4  }
0x8: {  	s1 =	rddreg [dreg:$0x2];
	_ =	strace $0x80000047;
	p0 =	sne.s32 s5, $0x0  }
0x9: {  	s6 =	sshrl.u32 s6, $0x8;
	s5 =	simm.s32 $0x1;
	s7 =	simm.s32 @!p0 $0x0  }
0xa: {  	s10 =	smov.u32 s3;
	[sflag:s5] =	ssyncpa.u1 $0x0;
	s6 =	sadd.s32 s7, s6  }
0xb: {  	[sflag:s8] =	ssyncpa.u1 $0x0;
	s8 =	simm.s32 $0x0;
	s7 =	sadd.s32 $0x1, s6  }
.LBB1_9:
0xc: {  	s14 =	sadd.s32 $0x100, s10  }
0xd: {  	p1 =	sgt.s32 s14, $0x1FFF  }
0xe: {  	s14 =	smov.u32 @p1 s3;
	p1 =	sne.s32 s11, s7  }
.Ltmp1:
0xf: {  	p0 =	slt.u32 s11, $0x2;
	(pc) =	sbr.rel @!p1 .LBB1_10-.Ltmp1, $4  }
0x10: {  	s13 =	simm.s32 @!p0 $0x2  }
0x11: {  	s15 =	sadd.s32 $0x1, s11;
	_ =	swait.ge @!p0 [sflag:s13], $0x4000  }
0x12: {  	s12 =	smov.u32 s10;
	s9 =	sadd.s32 $0x4000, s9;
	[sflag:s13] =	ssyncset.done @!p0 $0x0  }
0x13: {  	s11 =	smov.u32 s15;
	s10 =	smov.u32 s14;
	[sflag:s13] =	ssyncadd.s32 @!p0 $0xFFFFC000  }
.LBB1_1:
0x14: {  	p0 =	sge.u32 s11, s6  }
0x15: {  	s13 =	sxor.u32 @!p0 $0xFFFFFFFF, s11  }
0x16: {  	s31 =	sadd.s32 $0xFFFFFFFF, s11;
	s14 =	sshll.u32 @!p0 s10, $0x8;
	s13 =	sshll.u32 @!p0 s13, $0xE  }
0x17: {  	s15 =	simm.s32 @!p0 $0x0;
	s14 =	sadd.s32 @!p0 s2, s14;
	s13 =	sand.u32 @!p0 $0x4000, s13  }
0x18: {  	[tilespmem:s13], [sflag:$0x1] =	stream.linear.gather @!p0 [hbm4b:s14+s15], $0x4000, $0x38;
	[tilespmem:$0x10000] =	vst v63  }
0x19: {  	p0 =	sge.u32 s31, s6  }
.Ltmp2:
0x1a: {  	_ = 	snop;
	(pc) =	sbr.rel @p0 .LBB1_9-.Ltmp2, $1  }
0x1b: {  	_ =	sdelay $0x3  }
0x1c: {  	s13 =	sshll.u32 s9, $0x2;
	_ =	swait.ge [sflag:s5], $0x4000;
	s14 =	sshll.u32 s11, $0xE  }
0x1d: {  	s16 =	simm.s32 $0x0;
	s17 =	simm.s32 $0x0;
	s15 =	sand.u32 $0x10000, s13  }
0x1e: {  	[sflag:s5] =	ssyncset.done $0x0;
	s31 =	sand.u32 $0x4000, s14;
	s14 =	sshrl.u32 s15, $0x2  }
0x1f: {  	[sflag:s5] =	ssyncadd.s32 $0xFFFFC000;
	s13 =	sor.u32 $0x8000, s31;
	s15 =	sor.u32 $0x8000, s14  }
.LBB1_3:
0x20: {  	s18 =	sshra.s32 s16, $0x2  }
0x21: {  	v0 =	vmov s18;
	_ =	sdelay $0x3  }
0x22: {  	p1 =	por $0x1, $0x1;
	s18 =	simm.s32 $0x0  }
.LBB1_4:
0x23: {  	_ = 	snop  }
0x24: {  	s19 =	sshll.u32 s18, $0xA  }
0x25: {  	s19 =	sand.u32 $0x3FFFFC00, s19  }
0x26: {  	s19 =	sadd.s32 s19, s14  }
0x27: {  	v5 =	vld.idx.msk [tilespmem:v0+s19+$0x70 ss:$0x1], $0xffff  }
0x28: {  	v6 =	vld.idx.msk [tilespmem:v0+s19+$0x10 ss:$0x1], $0xffff  }
0x29: {  	v7 =	vld.idx.msk [tilespmem:v0+s19+$0x20 ss:$0x1], $0xffff  }
0x2a: {  	s31 =	sshll.u32 s18, $0x7;
	v1 =	vld.idx.msk [tilespmem:v0+s19+$0x30 ss:$0x1], $0xffff  }
0x2b: {  	s18 =	sand.u32 $0x3FFFFF80, s31;
	v2 =	vld.idx.msk [tilespmem:v0+s19+$0x40 ss:$0x1], $0xffff  }
0x2c: {  	s18 =	sadd.s32 s18, s15;
	v3 =	vld.idx.msk [tilespmem:v0+s19+$0x50 ss:$0x1], $0xffff  }
0x2d: {  	v4 =	vld.idx.msk [tilespmem:v0+s19+$0x60 ss:$0x1], $0xffff;
	[tilespmem:v0+s18+$0x70 ss:$0x1] =	vst.idx.msk $0xffff, v5  }
0x2e: {  	v5 =	vld.idx.msk [tilespmem:v0+s19+$0x0 ss:$0x1], $0xffff;
	[tilespmem:v0+s18+$0x10 ss:$0x1] =	vst.idx.msk $0xffff, v6;
	s19 =	sadd.s32 $0x80, s19  }
0x2f: {  	p0 =	por p1, p1;
	s20 =	simm.s32 $0x6;
	[tilespmem:v0+s18+$0x20 ss:$0x1] =	vst.idx.msk $0xffff, v7;
	v6 =	vld.idx.msk [tilespmem:v0+s19+$0x70 ss:$0x1], $0xffff  }
.LBB1_5:
0x30: {  	p1 =	sne.s32 s20, $0x1;
	v7 =	vld.idx.msk [tilespmem:v0+s19+$0x10 ss:$0x1], $0xffff;
	[tilespmem:v0+s18+$0x30 ss:$0x1] =	vst.idx.msk $0xffff, v1  }
0x31: {  	v8 =	vld.idx.msk [tilespmem:v0+s19+$0x20 ss:$0x1], $0xffff;
	[tilespmem:v0+s18+$0x40 ss:$0x1] =	vst.idx.msk $0xffff, v2  }
0x32: {  	v1 =	vld.idx.msk [tilespmem:v0+s19+$0x30 ss:$0x1], $0xffff;
	[tilespmem:v0+s18+$0x50 ss:$0x1] =	vst.idx.msk $0xffff, v3  }
.Ltmp3:
0x33: {  	v2 =	vld.idx.msk [tilespmem:v0+s19+$0x40 ss:$0x1], $0xffff;
	[tilespmem:v0+s18+$0x60 ss:$0x1] =	vst.idx.msk $0xffff, v4;
	(pc) =	sbr.rel @p1 .LBB1_5-.Ltmp3, $4  }
0x34: {  	v3 =	vld.idx.msk [tilespmem:v0+s19+$0x50 ss:$0x1], $0xffff;
	[tilespmem:v0+s18+$0x0 ss:$0x1] =	vst.idx.msk $0xffff, v5;
	s18 =	sadd.s32 $0x100, s18  }
0x35: {  	v4 =	vld.idx.msk [tilespmem:v0+s19+$0x60 ss:$0x1], $0xffff;
	[tilespmem:v0+s18+$0x70 ss:$0x1] =	vst.idx.msk $0xffff, v6  }
0x36: {  	v5 =	vld.idx.msk [tilespmem:v0+s19+$0x0 ss:$0x1], $0xffff;
	[tilespmem:v0+s18+$0x10 ss:$0x1] =	vst.idx.msk $0xffff, v7;
	s19 =	sadd.s32 $0x80, s19  }
0x37: {  	s20 =	sadd.s32 $0xFFFFFFFF, s20;
	v6 =	vld.idx.msk [tilespmem:v0+s19+$0x70 ss:$0x1], $0xffff;
	[tilespmem:v0+s18+$0x20 ss:$0x1] =	vst.idx.msk $0xffff, v8  }
0x38: {  	_ =	sdelay $0x3  }
0x39: {  	[tilespmem:v0+s18+$0x30 ss:$0x1] =	vst.idx.msk $0xffff, v1  }
0x3a: {  	v1 =	vld.idx.msk [tilespmem:v0+s19+$0x10 ss:$0x1], $0xffff;
	[tilespmem:v0+s18+$0x40 ss:$0x1] =	vst.idx.msk $0xffff, v2  }
0x3b: {  	v2 =	vld.idx.msk [tilespmem:v0+s19+$0x20 ss:$0x1], $0xffff;
	[tilespmem:v0+s18+$0x50 ss:$0x1] =	vst.idx.msk $0xffff, v3  }
0x3c: {  	v61 =	vld.idx.msk [tilespmem:v0+s19+$0x40 ss:$0x1], $0xffff;
	[tilespmem:v0+s18+$0x60 ss:$0x1] =	vst.idx.msk $0xffff, v4  }
0x3d: {  	s31 =	sadd.s32 $0x100, s18;
	v62 =	vld.idx.msk [tilespmem:v0+s19+$0x50 ss:$0x1], $0xffff;
	[tilespmem:v0+s18+$0x0 ss:$0x1] =	vst.idx.msk $0xffff, v5  }
0x3e: {  	v63 =	vld.idx.msk [tilespmem:v0+s19+$0x60 ss:$0x1], $0xffff;
	[tilespmem:v0+s31+$0x70 ss:$0x1] =	vst.idx.msk $0xffff, v6  }
0x3f: {  	v3 =	vld.idx.msk [tilespmem:v0+s19+$0x30 ss:$0x1], $0xffff;
	[tilespmem:v0+s31+$0x10 ss:$0x1] =	vst.idx.msk $0xffff, v1  }
0x40: {  	v1 =	vld.idx.msk [tilespmem:v0+s19+$0x0 ss:$0x1], $0xffff;
	[tilespmem:v0+s31+$0x20 ss:$0x1] =	vst.idx.msk $0xffff, v2  }
.Ltmp4:
0x41: {  	[tilespmem:v0+s31+$0x40 ss:$0x1] =	vst.idx.msk $0xffff, v61;
	(pc) =	sbr.rel @p0 .LBB1_4-.Ltmp4, $4  }
0x42: {  	[tilespmem:v0+s31+$0x50 ss:$0x1] =	vst.idx.msk $0xffff, v62  }
0x43: {  	[tilespmem:v0+s31+$0x60 ss:$0x1] =	vst.idx.msk $0xffff, v63  }
0x44: {  	[tilespmem:v0+s31+$0x30 ss:$0x1] =	vst.idx.msk $0xffff, v3  }
0x45: {  	p1 =	por $0x0, $0x0;
	s18 =	simm.s32 $0x1;
	[tilespmem:v0+s31+$0x0 ss:$0x1] =	vst.idx.msk $0xffff, v1  }
0x46: {  	s17 =	sadd.s32 $0x1, s17  }
0x47: {  	p0 =	sne.s32 s17, $0x8  }
.Ltmp5:
0x48: {  	_ = 	snop;
	(pc) =	sbr.rel @p0 .LBB1_3-.Ltmp5, $2  }
0x49: {  	_ =	sdelay $0x2  }
0x4a: {  	s16 =	sadd.s32 $0x2000, s16  }
.Ltmp6:
0x4b: {  	(pc) =	sbr.rel .LBB1_9-.Ltmp6, $4  }
0x4c: {  	_ = 	snop  }
0x4d: {  	s12 =	sshll.u32 s12, $0x8  }
0x4e: {  	s12 =	sadd.s32 s4, s12  }
0x4f: {  	[hbm4b:s12+s8] =	stream.linear.scatter [tilespmem:s13], [sflag:$0x2], $0x4000, $0x38;
	[tilespmem:$0x10000] =	vst v63  }
.LBB1_10:
0x50: {  	_ =	sfence.sel $0x180000  }
0x51: {  	s2 =	simm.s32 $0x1;
	[bflag:$0x0] =	sbarrier.arrive $0xFFFF  }
0x52: {  	s31 =	simm.s32 $0x2;
	[sflag:s2] =	ssyncpa.u1 $0x1  }
0x53: {  	[sflag:s31] =	ssyncpa.u1 $0x1  }
0x54: {  	p0 =	sne.s32 s0, $0x0;
	_ =	strace $0x90000047  }
0x55: {  	s0 =	sadd.s32 @!p0 $0x100000, s1;
	[bflag:$0x2] =	sbarrier.arrive $0xFFFF  }
0x56: {  	[sflag:s0] =	ssyncadd.tile.s32 @!p0 $0x1;
	_ =	shalt  }
.Lfunc_end1:
_tile_overlayer_lowered:
.L_overlay_start_2:
0x57: {  	(tag) =	ssettag $0x2  }
0x58: {  	s0 =	rddreg [dreg:$0x0];
	s2 =	stileid.u32  }
0x59: {  	s1 =	rddreg [dreg:$0x1];
	p0 =	sne.s32 s2, $0x0  }
0x5a: {  	s3 =	rddreg [dreg:$0x2];
	[bflag:$0x3] =	sbarrier.arrive $0xFFFF;
	s2 =	simm.s32 @!p0 $0x1C01  }
0x5b: {  	[timem:s3], [sflag:s2] =	dma.local @!p0 [hbm:s0], s1  }
0x5c: {  	s0 =	simm.s32 @!p0 $0x1  }
0x5d: {  	_ =	swait.ge @!p0 [sflag:s0], s1  }
0x5e: {  	s1 =	ssub.s32 @!p0 $0x0, s1;
	[sflag:s0] =	ssyncset.done @!p0 $0x0  }
0x5f: {  	[sflag:s0] =	ssyncadd.s32 @!p0 s1  }
0x60: {  	[bflag:$0x3] =	sbarrier.arrive $0xFFFF  }
0x61: {  	_ =	shalt  }

</sc_bundles>
